<compile_context>
chip_gen: v7x
topology: tpu7x:2x2x1
jax: 0.10.2.dev20260603
libtpu: 0.0.44.dev20260713+nightly
codegen_flags: <defaults>
</compile_context>

<pallas_src>
import jax
import jax.numpy as jnp
from jax import lax
from jax.experimental import pallas as pl
from jax.experimental.pallas import tpu as pltpu
from jax.experimental.pallas import tpu_sc as plsc

MAXLEN_USED = 200
EMBED = 128
BATCH = 4096
LANES = 16

NUM_CORES = 2
NUM_SUBCORES = 16
NW = NUM_CORES * NUM_SUBCORES
SEQ_PER_W = BATCH // NW
NBUF = 3

CHUNK_A = 104
CHUNK_B = 96


def _body(x_hbm, tok_hbm, pos_hbm, out_hbm,
          idx_v, pos_v, b0, b1, b2, g0, g1, g2, s0, s1, s2):
    bufs = (b0, b1, b2)
    gs = (g0, g1, g2)
    ss = (s0, s1, s2)
    wid = lax.axis_index("s") * NUM_CORES + lax.axis_index("c")
    seq0 = wid * SEQ_PER_W

    pltpu.sync_copy(pos_hbm.at[pl.ds(0, MAXLEN_USED)], pos_v)
    pltpu.sync_copy(
        x_hbm.at[pl.ds(seq0 * MAXLEN_USED, SEQ_PER_W * MAXLEN_USED)], idx_v
    )

    def start_gather(k, b):
        off = k * MAXLEN_USED
        pltpu.async_copy(
            tok_hbm.at[idx_v.at[pl.ds(off, CHUNK_A)]],
            bufs[b].at[pl.ds(0, CHUNK_A)], gs[b])
        pltpu.async_copy(
            tok_hbm.at[idx_v.at[pl.ds(off + CHUNK_A, CHUNK_B)]],
            bufs[b].at[pl.ds(CHUNK_A, CHUNK_B)], gs[b])

    def wait_gather(b):
        pltpu.make_async_copy(
            tok_hbm.at[pl.ds(0, MAXLEN_USED)], bufs[b], gs[b]).wait()

    def start_store(k, b):
        pltpu.async_copy(bufs[b], out_hbm.at[seq0 + k], ss[b])

    def wait_store(b):
        pltpu.make_async_copy(bufs[b], out_hbm.at[0], ss[b]).wait()

    def add_pos(b):
        buf = bufs[b]

        @plsc.parallel_loop(0, MAXLEN_USED, 1, unroll=2)
        def _row(r):
            for c in range(EMBED // LANES):
                sl = pl.ds(c * LANES, LANES)
                buf[r, sl] = buf[r, sl] + pos_v[r, sl]

    start_gather(0, 0)
    start_gather(1, 1)
    start_gather(2, 2)

    wait_gather(0)
    add_pos(0)
    start_store(0, 0)

    wait_gather(1)
    add_pos(1)
    wait_store(0)
    start_gather(3, 0)
    start_store(1, 1)

    @pl.loop(2, SEQ_PER_W, step=NBUF)
    def _main(k0):
        for db in range(NBUF):
            k = k0 + db
            b = (2 + db) % NBUF
            nb = (b + 2) % NBUF
            wait_gather(b)
            add_pos(b)

            @pl.when(k + 2 < SEQ_PER_W)
            def _issue():
                wait_store(nb)
                start_gather(k + 2, nb)

            start_store(k, b)

    for b in range(NBUF):
        wait_store(b)


def kernel(x, token_table, pos_table):
    x_flat = x.reshape(-1).astype(jnp.int32)
    mesh = plsc.VectorSubcoreMesh(
        core_axis_name="c", subcore_axis_name="s",
        num_cores=NUM_CORES, num_subcores=NUM_SUBCORES,
    )
    f = pl.kernel(
        _body,
        out_type=jax.ShapeDtypeStruct((BATCH, MAXLEN_USED, EMBED), jnp.float32),
        mesh=mesh,
        scratch_types=[
            pltpu.VMEM((SEQ_PER_W * MAXLEN_USED,), jnp.int32),
            pltpu.VMEM((MAXLEN_USED, EMBED), jnp.float32),
            pltpu.VMEM((MAXLEN_USED, EMBED), jnp.float32),
            pltpu.VMEM((MAXLEN_USED, EMBED), jnp.float32),
            pltpu.VMEM((MAXLEN_USED, EMBED), jnp.float32),
            pltpu.SemaphoreType.DMA,
            pltpu.SemaphoreType.DMA,
            pltpu.SemaphoreType.DMA,
            pltpu.SemaphoreType.DMA,
            pltpu.SemaphoreType.DMA,
            pltpu.SemaphoreType.DMA,
        ],
    )
    return f(x_flat, token_table, pos_table)

# --- scband reference (transcript-rebuilt; emitter-appended) ---
"""Pipeline reference for scband-token-and-position-embedding-19241453486839 (READ-ONLY COPY).

The authoritative reference and input builder live on the scoring server;
editing this copy changes nothing except your own understanding.
"""

import jax, jax.numpy as jnp
import numpy as np

MAXLEN = 500
VOCAB_SIZE = 100000
EMBED_DIM = 128
BATCH = 4096
SEQ_LEN = 200

def setup_inputs(seed: int = 0) -> dict:
    key = jax.random.key(seed)
    k1, k2, k3 = jax.random.split(key, 3)
    x = jax.random.randint(k1, (BATCH, SEQ_LEN), 0, VOCAB_SIZE, dtype=jnp.int64 if jax.config.jax_enable_x64 else jnp.int32)
    token_table = jax.random.normal(k2, (VOCAB_SIZE, EMBED_DIM), dtype=jnp.float32) * 0.05
    pos_table = jax.random.normal(k3, (MAXLEN, EMBED_DIM), dtype=jnp.float32) * 0.05
    return {"x": x, "token_table": token_table, "pos_table": pos_table}

def reference(x, token_table, pos_table):
    # TokenAndPositionEmbedding.call:
    #   maxlen = tf.shape(x)[-1]; positions = range(maxlen)
    #   pos = pos_emb(positions); tok = token_emb(x); return tok + pos
    seq_len = x.shape[-1]
    positions = jnp.arange(seq_len)
    pos = jnp.take(pos_table, positions, axis=0)          # [seq_len, embed_dim]
    tok = jnp.take(token_table, x, axis=0)                # [batch, seq_len, embed_dim]
    return tok + pos[None, :, :]

if __name__ == "__main__":
    import jax
    _d = setup_inputs()
    print(jax.jit(kernel)(*tuple(_d.values())))

</pallas_src>

<mosaic_0001>
#map = affine_map<(d0, d1) -> (0)>
#map1 = affine_map<(d0, d1) -> (0, 0)>
#map2 = affine_map<(d0, d1) -> (0, 0, 0)>
module attributes {stable_mosaic.version = 14 : i64} {
  func.func @_body(%arg0: i32, %arg1: i32, %arg2: memref<819200xi32, #tpu.memory_space<hbm>>, %arg3: memref<100000x128xf32, #tpu.memory_space<hbm>>, %arg4: memref<500x128xf32, #tpu.memory_space<hbm>>, %arg5: memref<4096x200x128xf32, #tpu.memory_space<hbm>>, %arg6: memref<25600xi32, #tpu.memory_space<vmem>>, %arg7: memref<200x128xf32, #tpu.memory_space<vmem>>, %arg8: memref<200x128xf32, #tpu.memory_space<vmem>>, %arg9: memref<200x128xf32, #tpu.memory_space<vmem>>, %arg10: memref<200x128xf32, #tpu.memory_space<vmem>>, %arg11: memref<!tpu.dma_semaphore, #tpu.memory_space<semaphore_mem>>, %arg12: memref<!tpu.dma_semaphore, #tpu.memory_space<semaphore_mem>>, %arg13: memref<!tpu.dma_semaphore, #tpu.memory_space<semaphore_mem>>, %arg14: memref<!tpu.dma_semaphore, #tpu.memory_space<semaphore_mem>>, %arg15: memref<!tpu.dma_semaphore, #tpu.memory_space<semaphore_mem>>, %arg16: memref<!tpu.dma_semaphore, #tpu.memory_space<semaphore_mem>>) attributes {dimension_semantics = [#tpu.dimension_semantics<core_parallel>, #tpu.dimension_semantics<subcore_parallel>], iteration_bounds = array<i64: 2, 16>, scalar_prefetch = 0 : i64, scratch_operands = 11 : i64, tpu.core_type = #tpu.core_type<sc_vector_subcore>, window_params = [{transform_indices = #map}, {transform_indices = #map1}, {transform_indices = #map1}, {transform_indices = #map2}]} {
    %mul3A = arith.constant 2 : i32
    %mul3A_0 = arith.muli %arg1, %mul3A : i32
    %add3A = arith.addi %mul3A_0, %arg0 : i32
    %mul3A_1 = arith.constant 128 : i32
    %mul3A_2 = arith.muli %add3A, %mul3A_1 : i32
    "tpu.region"() ({
      %run_scoped3A = tpu.sem_alloc : memref<!tpu.dma_semaphore, #tpu.memory_space<semaphore_mem>>
      %dma_start3A_144 = arith.constant 0 : i32
      %dma_start3A_145 = arith.constant 0 : i32
      %dma_start3A_146 = tpu.memref_slice %arg4[%dma_start3A_144, %dma_start3A_145] : memref<500x128xf32, #tpu.memory_space<hbm>> -> memref<200x128xf32, #tpu.memory_space<hbm>>
      %dma_start3A_147 = arith.constant 0 : i32
      %dma_start3A_148 = arith.constant 0 : i32
      %dma_start3A_149 = tpu.memref_slice %arg4[%dma_start3A_147, %dma_start3A_148] : memref<500x128xf32, #tpu.memory_space<hbm>> -> memref<200x128xf32, #tpu.memory_space<hbm>>
      tpu.enqueue_dma source(%dma_start3A_149 : memref<200x128xf32, #tpu.memory_space<hbm>>) target(%arg7 : memref<200x128xf32, #tpu.memory_space<vmem>>) target_semaphore(%run_scoped3A : memref<!tpu.dma_semaphore, #tpu.memory_space<semaphore_mem>>)
      %dma_wait3A_150 = arith.constant 0 : i32
      %dma_wait3A_151 = arith.constant 0 : i32
      %dma_wait3A_152 = tpu.memref_slice %arg4[%dma_wait3A_150, %dma_wait3A_151] : memref<500x128xf32, #tpu.memory_space<hbm>> -> memref<200x128xf32, #tpu.memory_space<hbm>>
      %dma_wait3A_153 = arith.constant 0 : i32
      %dma_wait3A_154 = arith.constant 0 : i32
      %dma_wait3A_155 = tpu.memref_slice %arg4[%dma_wait3A_153, %dma_wait3A_154] : memref<500x128xf32, #tpu.memory_space<hbm>> -> memref<200x128xf32, #tpu.memory_space<hbm>>
      tpu.wait_dma2 semaphore(%run_scoped3A : memref<!tpu.dma_semaphore, #tpu.memory_space<semaphore_mem>>) src(%dma_wait3A_155 : memref<200x128xf32, #tpu.memory_space<hbm>>) dst(%arg7 : memref<200x128xf32, #tpu.memory_space<vmem>>)
      tpu.yield
    }) : () -> ()
    %mul3A_3 = arith.constant 200 : i32
    %mul3A_4 = arith.muli %mul3A_2, %mul3A_3 : i32
    "tpu.region"() ({
      %run_scoped3A = tpu.sem_alloc : memref<!tpu.dma_semaphore, #tpu.memory_space<semaphore_mem>>
      %dma_start3A_144 = tpu.memref_slice %arg2[%mul3A_4] : memref<819200xi32, #tpu.memory_space<hbm>> -> memref<25600xi32, #tpu.memory_space<hbm>>
      %dma_start3A_145 = tpu.memref_slice %arg2[%mul3A_4] : memref<819200xi32, #tpu.memory_space<hbm>> -> memref<25600xi32, #tpu.memory_space<hbm>>
      tpu.enqueue_dma source(%dma_start3A_145 : memref<25600xi32, #tpu.memory_space<hbm>>) target(%arg6 : memref<25600xi32, #tpu.memory_space<vmem>>) target_semaphore(%run_scoped3A : memref<!tpu.dma_semaphore, #tpu.memory_space<semaphore_mem>>)
      %dma_wait3A_146 = tpu.memref_slice %arg2[%mul3A_4] : memref<819200xi32, #tpu.memory_space<hbm>> -> memref<25600xi32, #tpu.memory_space<hbm>>
      %dma_wait3A_147 = tpu.memref_slice %arg2[%mul3A_4] : memref<819200xi32, #tpu.memory_space<hbm>> -> memref<25600xi32, #tpu.memory_space<hbm>>
      tpu.wait_dma2 semaphore(%run_scoped3A : memref<!tpu.dma_semaphore, #tpu.memory_space<semaphore_mem>>) src(%dma_wait3A_147 : memref<25600xi32, #tpu.memory_space<hbm>>) dst(%arg6 : memref<25600xi32, #tpu.memory_space<vmem>>)
      tpu.yield
    }) : () -> ()
    %dma_start3A = arith.constant 0 : i32
    %dma_start3A_5 = arith.constant 0 : i32
    %dma_start3A_6 = tpu.memref_slice %arg8[%dma_start3A, %dma_start3A_5] : memref<200x128xf32, #tpu.memory_space<vmem>> -> memref<104x128xf32, #tpu.memory_space<vmem>>
    %dma_start3A_7 = arith.constant 0 : i32
    %dma_start3A_8 = tpu.memref_slice %arg6[%dma_start3A_7] : memref<25600xi32, #tpu.memory_space<vmem>> -> memref<104xi32, #tpu.memory_space<vmem>>
    %dma_start3A_9 = arith.constant 0 : i32
    %dma_start3A_10 = arith.constant 0 : i32
    %dma_start3A_11 = tpu.memref_slice %arg3[%dma_start3A_9, %dma_start3A_10] : memref<100000x128xf32, #tpu.memory_space<hbm>> -> memref<100000x128xf32, #tpu.memory_space<hbm>>
    tpu.enqueue_indirect_dma source(%dma_start3A_11 : memref<100000x128xf32, #tpu.memory_space<hbm>>) target(%dma_start3A_6 : memref<104x128xf32, #tpu.memory_space<vmem>>) offsets(%dma_start3A_8 : memref<104xi32, #tpu.memory_space<vmem>>) semaphore(%arg11 : memref<!tpu.dma_semaphore, #tpu.memory_space<semaphore_mem>>)
    %dma_start3A_12 = arith.constant 104 : i32
    %dma_start3A_13 = arith.constant 0 : i32
    %dma_start3A_14 = tpu.memref_slice %arg8[%dma_start3A_12, %dma_start3A_13] : memref<200x128xf32, #tpu.memory_space<vmem>> -> memref<96x128xf32, #tpu.memory_space<vmem>>
    %dma_start3A_15 = arith.constant 104 : i32
    %dma_start3A_16 = tpu.memref_slice %arg6[%dma_start3A_15] : memref<25600xi32, #tpu.memory_space<vmem>> -> memref<96xi32, #tpu.memory_space<vmem>>
    %dma_start3A_17 = arith.constant 0 : i32
    %dma_start3A_18 = arith.constant 0 : i32
    %dma_start3A_19 = tpu.memref_slice %arg3[%dma_start3A_17, %dma_start3A_18] : memref<100000x128xf32, #tpu.memory_space<hbm>> -> memref<100000x128xf32, #tpu.memory_space<hbm>>
    tpu.enqueue_indirect_dma source(%dma_start3A_19 : memref<100000x128xf32, #tpu.memory_space<hbm>>) target(%dma_start3A_14 : memref<96x128xf32, #tpu.memory_space<vmem>>) offsets(%dma_start3A_16 : memref<96xi32, #tpu.memory_space<vmem>>) semaphore(%arg11 : memref<!tpu.dma_semaphore, #tpu.memory_space<semaphore_mem>>)
    %dma_start3A_20 = arith.constant 0 : i32
    %dma_start3A_21 = arith.constant 0 : i32
    %dma_start3A_22 = tpu.memref_slice %arg9[%dma_start3A_20, %dma_start3A_21] : memref<200x128xf32, #tpu.memory_space<vmem>> -> memref<104x128xf32, #tpu.memory_space<vmem>>
    %dma_start3A_23 = arith.constant 200 : i32
    %dma_start3A_24 = tpu.memref_slice %arg6[%dma_start3A_23] : memref<25600xi32, #tpu.memory_space<vmem>> -> memref<104xi32, #tpu.memory_space<vmem>>
    %dma_start3A_25 = arith.constant 0 : i32
    %dma_start3A_26 = arith.constant 0 : i32
    %dma_start3A_27 = tpu.memref_slice %arg3[%dma_start3A_25, %dma_start3A_26] : memref<100000x128xf32, #tpu.memory_space<hbm>> -> memref<100000x128xf32, #tpu.memory_space<hbm>>
    tpu.enqueue_indirect_dma source(%dma_start3A_27 : memref<100000x128xf32, #tpu.memory_space<hbm>>) target(%dma_start3A_22 : memref<104x128xf32, #tpu.memory_space<vmem>>) offsets(%dma_start3A_24 : memref<104xi32, #tpu.memory_space<vmem>>) semaphore(%arg12 : memref<!tpu.dma_semaphore, #tpu.memory_space<semaphore_mem>>)
    %dma_start3A_28 = arith.constant 104 : i32
    %dma_start3A_29 = arith.constant 0 : i32
    %dma_start3A_30 = tpu.memref_slice %arg9[%dma_start3A_28, %dma_start3A_29] : memref<200x128xf32, #tpu.memory_space<vmem>> -> memref<96x128xf32, #tpu.memory_space<vmem>>
    %dma_start3A_31 = arith.constant 304 : i32
    %dma_start3A_32 = tpu.memref_slice %arg6[%dma_start3A_31] : memref<25600xi32, #tpu.memory_space<vmem>> -> memref<96xi32, #tpu.memory_space<vmem>>
    %dma_start3A_33 = arith.constant 0 : i32
    %dma_start3A_34 = arith.constant 0 : i32
    %dma_start3A_35 = tpu.memref_slice %arg3[%dma_start3A_33, %dma_start3A_34] : memref<100000x128xf32, #tpu.memory_space<hbm>> -> memref<100000x128xf32, #tpu.memory_space<hbm>>
    tpu.enqueue_indirect_dma source(%dma_start3A_35 : memref<100000x128xf32, #tpu.memory_space<hbm>>) target(%dma_start3A_30 : memref<96x128xf32, #tpu.memory_space<vmem>>) offsets(%dma_start3A_32 : memref<96xi32, #tpu.memory_space<vmem>>) semaphore(%arg12 : memref<!tpu.dma_semaphore, #tpu.memory_space<semaphore_mem>>)
    %dma_start3A_36 = arith.constant 0 : i32
    %dma_start3A_37 = arith.constant 0 : i32
    %dma_start3A_38 = tpu.memref_slice %arg10[%dma_start3A_36, %dma_start3A_37] : memref<200x128xf32, #tpu.memory_space<vmem>> -> memref<104x128xf32, #tpu.memory_space<vmem>>
    %dma_start3A_39 = arith.constant 400 : i32
    %dma_start3A_40 = tpu.memref_slice %arg6[%dma_start3A_39] : memref<25600xi32, #tpu.memory_space<vmem>> -> memref<104xi32, #tpu.memory_space<vmem>>
    %dma_start3A_41 = arith.constant 0 : i32
    %dma_start3A_42 = arith.constant 0 : i32
    %dma_start3A_43 = tpu.memref_slice %arg3[%dma_start3A_41, %dma_start3A_42] : memref<100000x128xf32, #tpu.memory_space<hbm>> -> memref<100000x128xf32, #tpu.memory_space<hbm>>
    tpu.enqueue_indirect_dma source(%dma_start3A_43 : memref<100000x128xf32, #tpu.memory_space<hbm>>) target(%dma_start3A_38 : memref<104x128xf32, #tpu.memory_space<vmem>>) offsets(%dma_start3A_40 : memref<104xi32, #tpu.memory_space<vmem>>) semaphore(%arg13 : memref<!tpu.dma_semaphore, #tpu.memory_space<semaphore_mem>>)
    %dma_start3A_44 = arith.constant 104 : i32
    %dma_start3A_45 = arith.constant 0 : i32
    %dma_start3A_46 = tpu.memref_slice %arg10[%dma_start3A_44, %dma_start3A_45] : memref<200x128xf32, #tpu.memory_space<vmem>> -> memref<96x128xf32, #tpu.memory_space<vmem>>
    %dma_start3A_47 = arith.constant 504 : i32
    %dma_start3A_48 = tpu.memref_slice %arg6[%dma_start3A_47] : memref<25600xi32, #tpu.memory_space<vmem>> -> memref<96xi32, #tpu.memory_space<vmem>>
    %dma_start3A_49 = arith.constant 0 : i32
    %dma_start3A_50 = arith.constant 0 : i32
    %dma_start3A_51 = tpu.memref_slice %arg3[%dma_start3A_49, %dma_start3A_50] : memref<100000x128xf32, #tpu.memory_space<hbm>> -> memref<100000x128xf32, #tpu.memory_space<hbm>>
    tpu.enqueue_indirect_dma source(%dma_start3A_51 : memref<100000x128xf32, #tpu.memory_space<hbm>>) target(%dma_start3A_46 : memref<96x128xf32, #tpu.memory_space<vmem>>) offsets(%dma_start3A_48 : memref<96xi32, #tpu.memory_space<vmem>>) semaphore(%arg13 : memref<!tpu.dma_semaphore, #tpu.memory_space<semaphore_mem>>)
    %dma_wait3A = arith.constant 0 : i32
    %dma_wait3A_52 = arith.constant 0 : i32
    %dma_wait3A_53 = tpu.memref_slice %arg3[%dma_wait3A, %dma_wait3A_52] : memref<100000x128xf32, #tpu.memory_space<hbm>> -> memref<200x128xf32, #tpu.memory_space<hbm>>
    %dma_wait3A_54 = arith.constant 0 : i32
    %dma_wait3A_55 = arith.constant 0 : i32
    %dma_wait3A_56 = tpu.memref_slice %arg3[%dma_wait3A_54, %dma_wait3A_55] : memref<100000x128xf32, #tpu.memory_space<hbm>> -> memref<200x128xf32, #tpu.memory_space<hbm>>
    tpu.wait_dma2 semaphore(%arg11 : memref<!tpu.dma_semaphore, #tpu.memory_space<semaphore_mem>>) src(%dma_wait3A_56 : memref<200x128xf32, #tpu.memory_space<hbm>>) dst(%arg8 : memref<200x128xf32, #tpu.memory_space<vmem>>)
    %parallel_loop3A = arith.constant 0 : i32
    %parallel_loop3A_57 = arith.constant 200 : i32
    %parallel_loop3A_58 = arith.constant 1 : i32
    scf.for %parallel_loop3A_144 = %parallel_loop3A to %parallel_loop3A_57 step %parallel_loop3A_58  : i32 {
      %parallel_loop3A_145 = arith.index_cast %parallel_loop3A_144 : i32 to index
      %parallel_loop3A_146 = arith.constant 0 : index
      %parallel_loop3A_147 = tpu.vector_load %arg8[%parallel_loop3A_145, %parallel_loop3A_146] {strides = array<i32>} : memref<200x128xf32, #tpu.memory_space<vmem>>, vector<1x16xf32>,
      %parallel_loop3A_148 = vector.shape_cast %parallel_loop3A_147 : vector<1x16xf32> to vector<16xf32>
      %parallel_loop3A_149 = arith.index_cast %parallel_loop3A_144 : i32 to index
      %parallel_loop3A_150 = arith.constant 0 : index
      %parallel_loop3A_151 = tpu.vector_load %arg7[%parallel_loop3A_149, %parallel_loop3A_150] {strides = array<i32>} : memref<200x128xf32, #tpu.memory_space<vmem>>, vector<1x16xf32>,
      %parallel_loop3A_152 = vector.shape_cast %parallel_loop3A_151 : vector<1x16xf32> to vector<16xf32>
      %parallel_loop3A_153 = arith.addf %parallel_loop3A_148, %parallel_loop3A_152 : vector<16xf32>
      %parallel_loop3A_154 = arith.index_cast %parallel_loop3A_144 : i32 to index
      %parallel_loop3A_155 = arith.constant 0 : index
      %parallel_loop3A_156 = tpu.vector_load %arg8[%parallel_loop3A_154, %parallel_loop3A_155] {strides = array<i32>} : memref<200x128xf32, #tpu.memory_space<vmem>>, vector<1x16xf32>,
      %parallel_loop3A_157 = vector.shape_cast %parallel_loop3A_156 : vector<1x16xf32> to vector<16xf32>
      %parallel_loop3A_158 = vector.shape_cast %parallel_loop3A_153 : vector<16xf32> to vector<1x16xf32>
      tpu.vector_store %arg8[%parallel_loop3A_154, %parallel_loop3A_155], %parallel_loop3A_158 {strides = array<i32>} : memref<200x128xf32, #tpu.memory_space<vmem>>, vector<1x16xf32>,
      %parallel_loop3A_159 = arith.index_cast %parallel_loop3A_144 : i32 to index
      %parallel_loop3A_160 = arith.constant 16 : index
      %parallel_loop3A_161 = tpu.vector_load %arg8[%parallel_loop3A_159, %parallel_loop3A_160] {strides = array<i32>} : memref<200x128xf32, #tpu.memory_space<vmem>>, vector<1x16xf32>,
      %parallel_loop3A_162 = vector.shape_cast %parallel_loop3A_161 : vector<1x16xf32> to vector<16xf32>
      %parallel_loop3A_163 = arith.index_cast %parallel_loop3A_144 : i32 to index
      %parallel_loop3A_164 = arith.constant 16 : index
      %parallel_loop3A_165 = tpu.vector_load %arg7[%parallel_loop3A_163, %parallel_loop3A_164] {strides = array<i32>} : memref<200x128xf32, #tpu.memory_space<vmem>>, vector<1x16xf32>,
      %parallel_loop3A_166 = vector.shape_cast %parallel_loop3A_165 : vector<1x16xf32> to vector<16xf32>
      %parallel_loop3A_167 = arith.addf %parallel_loop3A_162, %parallel_loop3A_166 : vector<16xf32>
      %parallel_loop3A_168 = arith.index_cast %parallel_loop3A_144 : i32 to index
      %parallel_loop3A_169 = arith.constant 16 : index
      %parallel_loop3A_170 = tpu.vector_load %arg8[%parallel_loop3A_168, %parallel_loop3A_169] {strides = array<i32>} : memref<200x128xf32, #tpu.memory_space<vmem>>, vector<1x16xf32>,
      %parallel_loop3A_171 = vector.shape_cast %parallel_loop3A_170 : vector<1x16xf32> to vector<16xf32>
      %parallel_loop3A_172 = vector.shape_cast %parallel_loop3A_167 : vector<16xf32> to vector<1x16xf32>
      tpu.vector_store %arg8[%parallel_loop3A_168, %parallel_loop3A_169], %parallel_loop3A_172 {strides = array<i32>} : memref<200x128xf32, #tpu.memory_space<vmem>>, vector<1x16xf32>,
      %parallel_loop3A_173 = arith.index_cast %parallel_loop3A_144 : i32 to index
      %parallel_loop3A_174 = arith.constant 32 : index
      %parallel_loop3A_175 = tpu.vector_load %arg8[%parallel_loop3A_173, %parallel_loop3A_174] {strides = array<i32>} : memref<200x128xf32, #tpu.memory_space<vmem>>, vector<1x16xf32>,
      %parallel_loop3A_176 = vector.shape_cast %parallel_loop3A_175 : vector<1x16xf32> to vector<16xf32>
      %parallel_loop3A_177 = arith.index_cast %parallel_loop3A_144 : i32 to index
      %parallel_loop3A_178 = arith.constant 32 : index
      %parallel_loop3A_179 = tpu.vector_load %arg7[%parallel_loop3A_177, %parallel_loop3A_178] {strides = array<i32>} : memref<200x128xf32, #tpu.memory_space<vmem>>, vector<1x16xf32>,
      %parallel_loop3A_180 = vector.shape_cast %parallel_loop3A_179 : vector<1x16xf32> to vector<16xf32>
      %parallel_loop3A_181 = arith.addf %parallel_loop3A_176, %parallel_loop3A_180 : vector<16xf32>
      %parallel_loop3A_182 = arith.index_cast %parallel_loop3A_144 : i32 to index
      %parallel_loop3A_183 = arith.constant 32 : index
      %parallel_loop3A_184 = tpu.vector_load %arg8[%parallel_loop3A_182, %parallel_loop3A_183] {strides = array<i32>} : memref<200x128xf32, #tpu.memory_space<vmem>>, vector<1x16xf32>,
      %parallel_loop3A_185 = vector.shape_cast %parallel_loop3A_184 : vector<1x16xf32> to vector<16xf32>
      %parallel_loop3A_186 = vector.shape_cast %parallel_loop3A_181 : vector<16xf32> to vector<1x16xf32>
      tpu.vector_store %arg8[%parallel_loop3A_182, %parallel_loop3A_183], %parallel_loop3A_186 {strides = array<i32>} : memref<200x128xf32, #tpu.memory_space<vmem>>, vector<1x16xf32>,
      %parallel_loop3A_187 = arith.index_cast %parallel_loop3A_144 : i32 to index
      %parallel_loop3A_188 = arith.constant 48 : index
      %parallel_loop3A_189 = tpu.vector_load %arg8[%parallel_loop3A_187, %parallel_loop3A_188] {strides = array<i32>} : memref<200x128xf32, #tpu.memory_space<vmem>>, vector<1x16xf32>,
      %parallel_loop3A_190 = vector.shape_cast %parallel_loop3A_189 : vector<1x16xf32> to vector<16xf32>
      %parallel_loop3A_191 = arith.index_cast %parallel_loop3A_144 : i32 to index
      %parallel_loop3A_192 = arith.constant 48 : index
      %parallel_loop3A_193 = tpu.vector_load %arg7[%parallel_loop3A_191, %parallel_loop3A_192] {strides = array<i32>} : memref<200x128xf32, #tpu.memory_space<vmem>>, vector<1x16xf32>,
      %parallel_loop3A_194 = vector.shape_cast %parallel_loop3A_193 : vector<1x16xf32> to vector<16xf32>
      %parallel_loop3A_195 = arith.addf %parallel_loop3A_190, %parallel_loop3A_194 : vector<16xf32>
      %parallel_loop3A_196 = arith.index_cast %parallel_loop3A_144 : i32 to index
      %parallel_loop3A_197 = arith.constant 48 : index
      %parallel_loop3A_198 = tpu.vector_load %arg8[%parallel_loop3A_196, %parallel_loop3A_197] {strides = array<i32>} : memref<200x128xf32, #tpu.memory_space<vmem>>, vector<1x16xf32>,
      %parallel_loop3A_199 = vector.shape_cast %parallel_loop3A_198 : vector<1x16xf32> to vector<16xf32>
      %parallel_loop3A_200 = vector.shape_cast %parallel_loop3A_195 : vector<16xf32> to vector<1x16xf32>
      tpu.vector_store %arg8[%parallel_loop3A_196, %parallel_loop3A_197], %parallel_loop3A_200 {strides = array<i32>} : memref<200x128xf32, #tpu.memory_space<vmem>>, vector<1x16xf32>,
      %parallel_loop3A_201 = arith.index_cast %parallel_loop3A_144 : i32 to index
      %parallel_loop3A_202 = arith.constant 64 : index
      %parallel_loop3A_203 = tpu.vector_load %arg8[%parallel_loop3A_201, %parallel_loop3A_202] {strides = array<i32>} : memref<200x128xf32, #tpu.memory_space<vmem>>, vector<1x16xf32>,
      %parallel_loop3A_204 = vector.shape_cast %parallel_loop3A_203 : vector<1x16xf32> to vector<16xf32>
      %parallel_loop3A_205 = arith.index_cast %parallel_loop3A_144 : i32 to index
      %parallel_loop3A_206 = arith.constant 64 : index
      %parallel_loop3A_207 = tpu.vector_load %arg7[%parallel_loop3A_205, %parallel_loop3A_206] {strides = array<i32>} : memref<200x128xf32, #tpu.memory_space<vmem>>, vector<1x16xf32>,
      %parallel_loop3A_208 = vector.shape_cast %parallel_loop3A_207 : vector<1x16xf32> to vector<16xf32>
      %parallel_loop3A_209 = arith.addf %parallel_loop3A_204, %parallel_loop3A_208 : vector<16xf32>
      %parallel_loop3A_210 = arith.index_cast %parallel_loop3A_144 : i32 to index
      %parallel_loop3A_211 = arith.constant 64 : index
      %parallel_loop3A_212 = tpu.vector_load %arg8[%parallel_loop3A_210, %parallel_loop3A_211] {strides = array<i32>} : memref<200x128xf32, #tpu.memory_space<vmem>>, vector<1x16xf32>,
      %parallel_loop3A_213 = vector.shape_cast %parallel_loop3A_212 : vector<1x16xf32> to vector<16xf32>
      %parallel_loop3A_214 = vector.shape_cast %parallel_loop3A_209 : vector<16xf32> to vector<1x16xf32>
      tpu.vector_store %arg8[%parallel_loop3A_210, %parallel_loop3A_211], %parallel_loop3A_214 {strides = array<i32>} : memref<200x128xf32, #tpu.memory_space<vmem>>, vector<1x16xf32>,
      %parallel_loop3A_215 = arith.index_cast %parallel_loop3A_144 : i32 to index
      %parallel_loop3A_216 = arith.constant 80 : index
      %parallel_loop3A_217 = tpu.vector_load %arg8[%parallel_loop3A_215, %parallel_loop3A_216] {strides = array<i32>} : memref<200x128xf32, #tpu.memory_space<vmem>>, vector<1x16xf32>,
      %parallel_loop3A_218 = vector.shape_cast %parallel_loop3A_217 : vector<1x16xf32> to vector<16xf32>
      %parallel_loop3A_219 = arith.index_cast %parallel_loop3A_144 : i32 to index
      %parallel_loop3A_220 = arith.constant 80 : index
      %parallel_loop3A_221 = tpu.vector_load %arg7[%parallel_loop3A_219, %parallel_loop3A_220] {strides = array<i32>} : memref<200x128xf32, #tpu.memory_space<vmem>>, vector<1x16xf32>,
      %parallel_loop3A_222 = vector.shape_cast %parallel_loop3A_221 : vector<1x16xf32> to vector<16xf32>
      %parallel_loop3A_223 = arith.addf %parallel_loop3A_218, %parallel_loop3A_222 : vector<16xf32>
      %parallel_loop3A_224 = arith.index_cast %parallel_loop3A_144 : i32 to index
      %parallel_loop3A_225 = arith.constant 80 : index
      %parallel_loop3A_226 = tpu.vector_load %arg8[%parallel_loop3A_224, %parallel_loop3A_225] {strides = array<i32>} : memref<200x128xf32, #tpu.memory_space<vmem>>, vector<1x16xf32>,
      %parallel_loop3A_227 = vector.shape_cast %parallel_loop3A_226 : vector<1x16xf32> to vector<16xf32>
      %parallel_loop3A_228 = vector.shape_cast %parallel_loop3A_223 : vector<16xf32> to vector<1x16xf32>
      tpu.vector_store %arg8[%parallel_loop3A_224, %parallel_loop3A_225], %parallel_loop3A_228 {strides = array<i32>} : memref<200x128xf32, #tpu.memory_space<vmem>>, vector<1x16xf32>,
      %parallel_loop3A_229 = arith.index_cast %parallel_loop3A_144 : i32 to index
      %parallel_loop3A_230 = arith.constant 96 : index
      %parallel_loop3A_231 = tpu.vector_load %arg8[%parallel_loop3A_229, %parallel_loop3A_230] {strides = array<i32>} : memref<200x128xf32, #tpu.memory_space<vmem>>, vector<1x16xf32>,
      %parallel_loop3A_232 = vector.shape_cast %parallel_loop3A_231 : vector<1x16xf32> to vector<16xf32>
      %parallel_loop3A_233 = arith.index_cast %parallel_loop3A_144 : i32 to index
      %parallel_loop3A_234 = arith.constant 96 : index
      %parallel_loop3A_235 = tpu.vector_load %arg7[%parallel_loop3A_233, %parallel_loop3A_234] {strides = array<i32>} : memref<200x128xf32, #tpu.memory_space<vmem>>, vector<1x16xf32>,
      %parallel_loop3A_236 = vector.shape_cast %parallel_loop3A_235 : vector<1x16xf32> to vector<16xf32>
      %parallel_loop3A_237 = arith.addf %parallel_loop3A_232, %parallel_loop3A_236 : vector<16xf32>
      %parallel_loop3A_238 = arith.index_cast %parallel_loop3A_144 : i32 to index
      %parallel_loop3A_239 = arith.constant 96 : index
      %parallel_loop3A_240 = tpu.vector_load %arg8[%parallel_loop3A_238, %parallel_loop3A_239] {strides = array<i32>} : memref<200x128xf32, #tpu.memory_space<vmem>>, vector<1x16xf32>,
      %parallel_loop3A_241 = vector.shape_cast %parallel_loop3A_240 : vector<1x16xf32> to vector<16xf32>
      %parallel_loop3A_242 = vector.shape_cast %parallel_loop3A_237 : vector<16xf32> to vector<1x16xf32>
      tpu.vector_store %arg8[%parallel_loop3A_238, %parallel_loop3A_239], %parallel_loop3A_242 {strides = array<i32>} : memref<200x128xf32, #tpu.memory_space<vmem>>, vector<1x16xf32>,
      %parallel_loop3A_243 = arith.index_cast %parallel_loop3A_144 : i32 to index
      %parallel_loop3A_244 = arith.constant 112 : index
      %parallel_loop3A_245 = tpu.vector_load %arg8[%parallel_loop3A_243, %parallel_loop3A_244] {strides = array<i32>} : memref<200x128xf32, #tpu.memory_space<vmem>>, vector<1x16xf32>,
      %parallel_loop3A_246 = vector.shape_cast %parallel_loop3A_245 : vector<1x16xf32> to vector<16xf32>
      %parallel_loop3A_247 = arith.index_cast %parallel_loop3A_144 : i32 to index
      %parallel_loop3A_248 = arith.constant 112 : index
      %parallel_loop3A_249 = tpu.vector_load %arg7[%parallel_loop3A_247, %parallel_loop3A_248] {strides = array<i32>} : memref<200x128xf32, #tpu.memory_space<vmem>>, vector<1x16xf32>,
      %parallel_loop3A_250 = vector.shape_cast %parallel_loop3A_249 : vector<1x16xf32> to vector<16xf32>
      %parallel_loop3A_251 = arith.addf %parallel_loop3A_246, %parallel_loop3A_250 : vector<16xf32>
      %parallel_loop3A_252 = arith.index_cast %parallel_loop3A_144 : i32 to index
      %parallel_loop3A_253 = arith.constant 112 : index
      %parallel_loop3A_254 = tpu.vector_load %arg8[%parallel_loop3A_252, %parallel_loop3A_253] {strides = array<i32>} : memref<200x128xf32, #tpu.memory_space<vmem>>, vector<1x16xf32>,
      %parallel_loop3A_255 = vector.shape_cast %parallel_loop3A_254 : vector<1x16xf32> to vector<16xf32>
      %parallel_loop3A_256 = vector.shape_cast %parallel_loop3A_251 : vector<16xf32> to vector<1x16xf32>
      tpu.vector_store %arg8[%parallel_loop3A_252, %parallel_loop3A_253], %parallel_loop3A_256 {strides = array<i32>} : memref<200x128xf32, #tpu.memory_space<vmem>>, vector<1x16xf32>,
    } {sc.loop_unroll_factor = 2 : i64, sc.parallel_access}
    %add3A_59 = arith.constant 0 : i32
    %add3A_60 = arith.addi %mul3A_2, %add3A_59 : i32
    %dma_start3A_61 = arith.constant 0 : i32
    %dma_start3A_62 = arith.constant 0 : i32
    %dma_start3A_63 = tpu.memref_slice %arg5[%add3A_60, %dma_start3A_61, %dma_start3A_62] : memref<4096x200x128xf32, #tpu.memory_space<hbm>> -> memref<1x200x128xf32, #tpu.memory_space<hbm>>
    %dma_start3A_64 = tpu.memref_squeeze %dma_start3A_63 : memref<1x200x128xf32, #tpu.memory_space<hbm>> -> memref<200x128xf32, #tpu.memory_space<hbm>>
    %dma_start3A_65 = arith.constant 0 : i32
    %dma_start3A_66 = arith.constant 0 : i32
    %dma_start3A_67 = tpu.memref_slice %arg5[%add3A_60, %dma_start3A_65, %dma_start3A_66] : memref<4096x200x128xf32, #tpu.memory_space<hbm>> -> memref<1x200x128xf32, #tpu.memory_space<hbm>>
    %dma_start3A_68 = tpu.memref_squeeze %dma_start3A_67 : memref<1x200x128xf32, #tpu.memory_space<hbm>> -> memref<200x128xf32, #tpu.memory_space<hbm>>
    tpu.enqueue_dma source(%arg8 : memref<200x128xf32, #tpu.memory_space<vmem>>) target(%dma_start3A_68 : memref<200x128xf32, #tpu.memory_space<hbm>>) target_semaphore(%arg14 : memref<!tpu.dma_semaphore, #tpu.memory_space<semaphore_mem>>)
    %dma_wait3A_69 = arith.constant 0 : i32
    %dma_wait3A_70 = arith.constant 0 : i32
    %dma_wait3A_71 = tpu.memref_slice %arg3[%dma_wait3A_69, %dma_wait3A_70] : memref<100000x128xf32, #tpu.memory_space<hbm>> -> memref<200x128xf32, #tpu.memory_space<hbm>>
    %dma_wait3A_72 = arith.constant 0 : i32
    %dma_wait3A_73 = arith.constant 0 : i32
    %dma_wait3A_74 = tpu.memref_slice %arg3[%dma_wait3A_72, %dma_wait3A_73] : memref<100000x128xf32, #tpu.memory_space<hbm>> -> memref<200x128xf32, #tpu.memory_space<hbm>>
    tpu.wait_dma2 semaphore(%arg12 : memref<!tpu.dma_semaphore, #tpu.memory_space<semaphore_mem>>) src(%dma_wait3A_74 : memref<200x128xf32, #tpu.memory_space<hbm>>) dst(%arg9 : memref<200x128xf32, #tpu.memory_space<vmem>>)
    %parallel_loop3A_75 = arith.constant 0 : i32
    %parallel_loop3A_76 = arith.constant 200 : i32
    %parallel_loop3A_77 = arith.constant 1 : i32
    scf.for %parallel_loop3A_144 = %parallel_loop3A_75 to %parallel_loop3A_76 step %parallel_loop3A_77  : i32 {
      %parallel_loop3A_145 = arith.index_cast %parallel_loop3A_144 : i32 to index
      %parallel_loop3A_146 = arith.constant 0 : index
      %parallel_loop3A_147 = tpu.vector_load %arg9[%parallel_loop3A_145, %parallel_loop3A_146] {strides = array<i32>} : memref<200x128xf32, #tpu.memory_space<vmem>>, vector<1x16xf32>,
      %parallel_loop3A_148 = vector.shape_cast %parallel_loop3A_147 : vector<1x16xf32> to vector<16xf32>
      %parallel_loop3A_149 = arith.index_cast %parallel_loop3A_144 : i32 to index
      %parallel_loop3A_150 = arith.constant 0 : index
      %parallel_loop3A_151 = tpu.vector_load %arg7[%parallel_loop3A_149, %parallel_loop3A_150] {strides = array<i32>} : memref<200x128xf32, #tpu.memory_space<vmem>>, vector<1x16xf32>,
      %parallel_loop3A_152 = vector.shape_cast %parallel_loop3A_151 : vector<1x16xf32> to vector<16xf32>
      %parallel_loop3A_153 = arith.addf %parallel_loop3A_148, %parallel_loop3A_152 : vector<16xf32>
      %parallel_loop3A_154 = arith.index_cast %parallel_loop3A_144 : i32 to index
      %parallel_loop3A_155 = arith.constant 0 : index
      %parallel_loop3A_156 = tpu.vector_load %arg9[%parallel_loop3A_154, %parallel_loop3A_155] {strides = array<i32>} : memref<200x128xf32, #tpu.memory_space<vmem>>, vector<1x16xf32>,
      %parallel_loop3A_157 = vector.shape_cast %parallel_loop3A_156 : vector<1x16xf32> to vector<16xf32>
      %parallel_loop3A_158 = vector.shape_cast %parallel_loop3A_153 : vector<16xf32> to vector<1x16xf32>
      tpu.vector_store %arg9[%parallel_loop3A_154, %parallel_loop3A_155], %parallel_loop3A_158 {strides = array<i32>} : memref<200x128xf32, #tpu.memory_space<vmem>>, vector<1x16xf32>,
      %parallel_loop3A_159 = arith.index_cast %parallel_loop3A_144 : i32 to index
      %parallel_loop3A_160 = arith.constant 16 : index
      %parallel_loop3A_161 = tpu.vector_load %arg9[%parallel_loop3A_159, %parallel_loop3A_160] {strides = array<i32>} : memref<200x128xf32, #tpu.memory_space<vmem>>, vector<1x16xf32>,
      %parallel_loop3A_162 = vector.shape_cast %parallel_loop3A_161 : vector<1x16xf32> to vector<16xf32>
      %parallel_loop3A_163 = arith.index_cast %parallel_loop3A_144 : i32 to index
      %parallel_loop3A_164 = arith.constant 16 : index
      %parallel_loop3A_165 = tpu.vector_load %arg7[%parallel_loop3A_163, %parallel_loop3A_164] {strides = array<i32>} : memref<200x128xf32, #tpu.memory_space<vmem>>, vector<1x16xf32>,
      %parallel_loop3A_166 = vector.shape_cast %parallel_loop3A_165 : vector<1x16xf32> to vector<16xf32>
      %parallel_loop3A_167 = arith.addf %parallel_loop3A_162, %parallel_loop3A_166 : vector<16xf32>
      %parallel_loop3A_168 = arith.index_cast %parallel_loop3A_144 : i32 to index
      %parallel_loop3A_169 = arith.constant 16 : index
      %parallel_loop3A_170 = tpu.vector_load %arg9[%parallel_loop3A_168, %parallel_loop3A_169] {strides = array<i32>} : memref<200x128xf32, #tpu.memory_space<vmem>>, vector<1x16xf32>,
      %parallel_loop3A_171 = vector.shape_cast %parallel_loop3A_170 : vector<1x16xf32> to vector<16xf32>
      %parallel_loop3A_172 = vector.shape_cast %parallel_loop3A_167 : vector<16xf32> to vector<1x16xf32>
      tpu.vector_store %arg9[%parallel_loop3A_168, %parallel_loop3A_169], %parallel_loop3A_172 {strides = array<i32>} : memref<200x128xf32, #tpu.memory_space<vmem>>, vector<1x16xf32>,
      %parallel_loop3A_173 = arith.index_cast %parallel_loop3A_144 : i32 to index
      %parallel_loop3A_174 = arith.constant 32 : index
      %parallel_loop3A_175 = tpu.vector_load %arg9[%parallel_loop3A_173, %parallel_loop3A_174] {strides = array<i32>} : memref<200x128xf32, #tpu.memory_space<vmem>>, vector<1x16xf32>,
      %parallel_loop3A_176 = vector.shape_cast %parallel_loop3A_175 : vector<1x16xf32> to vector<16xf32>
      %parallel_loop3A_177 = arith.index_cast %parallel_loop3A_144 : i32 to index
      %parallel_loop3A_178 = arith.constant 32 : index
      %parallel_loop3A_179 = tpu.vector_load %arg7[%parallel_loop3A_177, %parallel_loop3A_178] {strides = array<i32>} : memref<200x128xf32, #tpu.memory_space<vmem>>, vector<1x16xf32>,
      %parallel_loop3A_180 = vector.shape_cast %parallel_loop3A_179 : vector<1x16xf32> to vector<16xf32>
      %parallel_loop3A_181 = arith.addf %parallel_loop3A_176, %parallel_loop3A_180 : vector<16xf32>
      %parallel_loop3A_182 = arith.index_cast %parallel_loop3A_144 : i32 to index
      %parallel_loop3A_183 = arith.constant 32 : index
      %parallel_loop3A_184 = tpu.vector_load %arg9[%parallel_loop3A_182, %parallel_loop3A_183] {strides = array<i32>} : memref<200x128xf32, #tpu.memory_space<vmem>>, vector<1x16xf32>,
      %parallel_loop3A_185 = vector.shape_cast %parallel_loop3A_184 : vector<1x16xf32> to vector<16xf32>
      %parallel_loop3A_186 = vector.shape_cast %parallel_loop3A_181 : vector<16xf32> to vector<1x16xf32>
      tpu.vector_store %arg9[%parallel_loop3A_182, %parallel_loop3A_183], %parallel_loop3A_186 {strides = array<i32>} : memref<200x128xf32, #tpu.memory_space<vmem>>, vector<1x16xf32>,
      %parallel_loop3A_187 = arith.index_cast %parallel_loop3A_144 : i32 to index
      %parallel_loop3A_188 = arith.constant 48 : index
      %parallel_loop3A_189 = tpu.vector_load %arg9[%parallel_loop3A_187, %parallel_loop3A_188] {strides = array<i32>} : memref<200x128xf32, #tpu.memory_space<vmem>>, vector<1x16xf32>,
      %parallel_loop3A_190 = vector.shape_cast %parallel_loop3A_189 : vector<1x16xf32> to vector<16xf32>
      %parallel_loop3A_191 = arith.index_cast %parallel_loop3A_144 : i32 to index
      %parallel_loop3A_192 = arith.constant 48 : index
      %parallel_loop3A_193 = tpu.vector_load %arg7[%parallel_loop3A_191, %parallel_loop3A_192] {strides = array<i32>} : memref<200x128xf32, #tpu.memory_space<vmem>>, vector<1x16xf32>,
      %parallel_loop3A_194 = vector.shape_cast %parallel_loop3A_193 : vector<1x16xf32> to vector<16xf32>
      %parallel_loop3A_195 = arith.addf %parallel_loop3A_190, %parallel_loop3A_194 : vector<16xf32>
      %parallel_loop3A_196 = arith.index_cast %parallel_loop3A_144 : i32 to index
      %parallel_loop3A_197 = arith.constant 48 : index
      %parallel_loop3A_198 = tpu.vector_load %arg9[%parallel_loop3A_196, %parallel_loop3A_197] {strides = array<i32>} : memref<200x128xf32, #tpu.memory_space<vmem>>, vector<1x16xf32>,
      %parallel_loop3A_199 = vector.shape_cast %parallel_loop3A_198 : vector<1x16xf32> to vector<16xf32>
      %parallel_loop3A_200 = vector.shape_cast %parallel_loop3A_195 : vector<16xf32> to vector<1x16xf32>
      tpu.vector_store %arg9[%parallel_loop3A_196, %parallel_loop3A_197], %parallel_loop3A_200 {strides = array<i32>} : memref<200x128xf32, #tpu.memory_space<vmem>>, vector<1x16xf32>,
      %parallel_loop3A_201 = arith.index_cast %parallel_loop3A_144 : i32 to index
      %parallel_loop3A_202 = arith.constant 64 : index
      %parallel_loop3A_203 = tpu.vector_load %arg9[%parallel_loop3A_201, %parallel_loop3A_202] {strides = array<i32>} : memref<200x128xf32, #tpu.memory_space<vmem>>, vector<1x16xf32>,
      %parallel_loop3A_204 = vector.shape_cast %parallel_loop3A_203 : vector<1x16xf32> to vector<16xf32>
      %parallel_loop3A_205 = arith.index_cast %parallel_loop3A_144 : i32 to index
      %parallel_loop3A_206 = arith.constant 64 : index
      %parallel_loop3A_207 = tpu.vector_load %arg7[%parallel_loop3A_205, %parallel_loop3A_206] {strides = array<i32>} : memref<200x128xf32, #tpu.memory_space<vmem>>, vector<1x16xf32>,
      %parallel_loop3A_208 = vector.shape_cast %parallel_loop3A_207 : vector<1x16xf32> to vector<16xf32>
      %parallel_loop3A_209 = arith.addf %parallel_loop3A_204, %parallel_loop3A_208 : vector<16xf32>
      %parallel_loop3A_210 = arith.index_cast %parallel_loop3A_144 : i32 to index
      %parallel_loop3A_211 = arith.constant 64 : index
      %parallel_loop3A_212 = tpu.vector_load %arg9[%parallel_loop3A_210, %parallel_loop3A_211] {strides = array<i32>} : memref<200x128xf32, #tpu.memory_space<vmem>>, vector<1x16xf32>,
      %parallel_loop3A_213 = vector.shape_cast %parallel_loop3A_212 : vector<1x16xf32> to vector<16xf32>
      %parallel_loop3A_214 = vector.shape_cast %parallel_loop3A_209 : vector<16xf32> to vector<1x16xf32>
      tpu.vector_store %arg9[%parallel_loop3A_210, %parallel_loop3A_211], %parallel_loop3A_214 {strides = array<i32>} : memref<200x128xf32, #tpu.memory_space<vmem>>, vector<1x16xf32>,
      %parallel_loop3A_215 = arith.index_cast %parallel_loop3A_144 : i32 to index
      %parallel_loop3A_216 = arith.constant 80 : index
      %parallel_loop3A_217 = tpu.vector_load %arg9[%parallel_loop3A_215, %parallel_loop3A_216] {strides = array<i32>} : memref<200x128xf32, #tpu.memory_space<vmem>>, vector<1x16xf32>,
      %parallel_loop3A_218 = vector.shape_cast %parallel_loop3A_217 : vector<1x16xf32> to vector<16xf32>
      %parallel_loop3A_219 = arith.index_cast %parallel_loop3A_144 : i32 to index
      %parallel_loop3A_220 = arith.constant 80 : index
      %parallel_loop3A_221 = tpu.vector_load %arg7[%parallel_loop3A_219, %parallel_loop3A_220] {strides = array<i32>} : memref<200x128xf32, #tpu.memory_space<vmem>>, vector<1x16xf32>,
      %parallel_loop3A_222 = vector.shape_cast %parallel_loop3A_221 : vector<1x16xf32> to vector<16xf32>
      %parallel_loop3A_223 = arith.addf %parallel_loop3A_218, %parallel_loop3A_222 : vector<16xf32>
      %parallel_loop3A_224 = arith.index_cast %parallel_loop3A_144 : i32 to index
      %parallel_loop3A_225 = arith.constant 80 : index
      %parallel_loop3A_226 = tpu.vector_load %arg9[%parallel_loop3A_224, %parallel_loop3A_225] {strides = array<i32>} : memref<200x128xf32, #tpu.memory_space<vmem>>, vector<1x16xf32>,
      %parallel_loop3A_227 = vector.shape_cast %parallel_loop3A_226 : vector<1x16xf32> to vector<16xf32>
      %parallel_loop3A_228 = vector.shape_cast %parallel_loop3A_223 : vector<16xf32> to vector<1x16xf32>
      tpu.vector_store %arg9[%parallel_loop3A_224, %parallel_loop3A_225], %parallel_loop3A_228 {strides = array<i32>} : memref<200x128xf32, #tpu.memory_space<vmem>>, vector<1x16xf32>,
      %parallel_loop3A_229 = arith.index_cast %parallel_loop3A_144 : i32 to index
      %parallel_loop3A_230 = arith.constant 96 : index
      %parallel_loop3A_231 = tpu.vector_load %arg9[%parallel_loop3A_229, %parallel_loop3A_230] {strides = array<i32>} : memref<200x128xf32, #tpu.memory_space<vmem>>, vector<1x16xf32>,
      %parallel_loop3A_232 = vector.shape_cast %parallel_loop3A_231 : vector<1x16xf32> to vector<16xf32>
      %parallel_loop3A_233 = arith.index_cast %parallel_loop3A_144 : i32 to index
      %parallel_loop3A_234 = arith.constant 96 : index
      %parallel_loop3A_235 = tpu.vector_load %arg7[%parallel_loop3A_233, %parallel_loop3A_234] {strides = array<i32>} : memref<200x128xf32, #tpu.memory_space<vmem>>, vector<1x16xf32>,
      %parallel_loop3A_236 = vector.shape_cast %parallel_loop3A_235 : vector<1x16xf32> to vector<16xf32>
      %parallel_loop3A_237 = arith.addf %parallel_loop3A_232, %parallel_loop3A_236 : vector<16xf32>
      %parallel_loop3A_238 = arith.index_cast %parallel_loop3A_144 : i32 to index
      %parallel_loop3A_239 = arith.constant 96 : index
      %parallel_loop3A_240 = tpu.vector_load %arg9[%parallel_loop3A_238, %parallel_loop3A_239] {strides = array<i32>} : memref<200x128xf32, #tpu.memory_space<vmem>>, vector<1x16xf32>,
      %parallel_loop3A_241 = vector.shape_cast %parallel_loop3A_240 : vector<1x16xf32> to vector<16xf32>
      %parallel_loop3A_242 = vector.shape_cast %parallel_loop3A_237 : vector<16xf32> to vector<1x16xf32>
      tpu.vector_store %arg9[%parallel_loop3A_238, %parallel_loop3A_239], %parallel_loop3A_242 {strides = array<i32>} : memref<200x128xf32, #tpu.memory_space<vmem>>, vector<1x16xf32>,
      %parallel_loop3A_243 = arith.index_cast %parallel_loop3A_144 : i32 to index
      %parallel_loop3A_244 = arith.constant 112 : index
      %parallel_loop3A_245 = tpu.vector_load %arg9[%parallel_loop3A_243, %parallel_loop3A_244] {strides = array<i32>} : memref<200x128xf32, #tpu.memory_space<vmem>>, vector<1x16xf32>,
      %parallel_loop3A_246 = vector.shape_cast %parallel_loop3A_245 : vector<1x16xf32> to vector<16xf32>
      %parallel_loop3A_247 = arith.index_cast %parallel_loop3A_144 : i32 to index
      %parallel_loop3A_248 = arith.constant 112 : index
      %parallel_loop3A_249 = tpu.vector_load %arg7[%parallel_loop3A_247, %parallel_loop3A_248] {strides = array<i32>} : memref<200x128xf32, #tpu.memory_space<vmem>>, vector<1x16xf32>,
      %parallel_loop3A_250 = vector.shape_cast %parallel_loop3A_249 : vector<1x16xf32> to vector<16xf32>
      %parallel_loop3A_251 = arith.addf %parallel_loop3A_246, %parallel_loop3A_250 : vector<16xf32>
      %parallel_loop3A_252 = arith.index_cast %parallel_loop3A_144 : i32 to index
      %parallel_loop3A_253 = arith.constant 112 : index
      %parallel_loop3A_254 = tpu.vector_load %arg9[%parallel_loop3A_252, %parallel_loop3A_253] {strides = array<i32>} : memref<200x128xf32, #tpu.memory_space<vmem>>, vector<1x16xf32>,
      %parallel_loop3A_255 = vector.shape_cast %parallel_loop3A_254 : vector<1x16xf32> to vector<16xf32>
      %parallel_loop3A_256 = vector.shape_cast %parallel_loop3A_251 : vector<16xf32> to vector<1x16xf32>
      tpu.vector_store %arg9[%parallel_loop3A_252, %parallel_loop3A_253], %parallel_loop3A_256 {strides = array<i32>} : memref<200x128xf32, #tpu.memory_space<vmem>>, vector<1x16xf32>,
    } {sc.loop_unroll_factor = 2 : i64, sc.parallel_access}
    %dma_wait3A_78 = arith.constant 0 : i32
    %dma_wait3A_79 = arith.constant 0 : i32
    %dma_wait3A_80 = arith.constant 0 : i32
    %dma_wait3A_81 = tpu.memref_slice %arg5[%dma_wait3A_78, %dma_wait3A_79, %dma_wait3A_80] : memref<4096x200x128xf32, #tpu.memory_space<hbm>> -> memref<1x200x128xf32, #tpu.memory_space<hbm>>
    %dma_wait3A_82 = tpu.memref_squeeze %dma_wait3A_81 : memref<1x200x128xf32, #tpu.memory_space<hbm>> -> memref<200x128xf32, #tpu.memory_space<hbm>>
    %dma_wait3A_83 = arith.constant 0 : i32
    %dma_wait3A_84 = arith.constant 0 : i32
    %dma_wait3A_85 = tpu.memref_slice %arg5[%dma_wait3A_78, %dma_wait3A_83, %dma_wait3A_84] : memref<4096x200x128xf32, #tpu.memory_space<hbm>> -> memref<1x200x128xf32, #tpu.memory_space<hbm>>
    %dma_wait3A_86 = tpu.memref_squeeze %dma_wait3A_85 : memref<1x200x128xf32, #tpu.memory_space<hbm>> -> memref<200x128xf32, #tpu.memory_space<hbm>>
    tpu.wait_dma2 semaphore(%arg14 : memref<!tpu.dma_semaphore, #tpu.memory_space<semaphore_mem>>) src(%arg8 : memref<200x128xf32, #tpu.memory_space<vmem>>) dst(%dma_wait3A_86 : memref<200x128xf32, #tpu.memory_space<hbm>>)
    %dma_start3A_87 = arith.constant 0 : i32
    %dma_start3A_88 = arith.constant 0 : i32
    %dma_start3A_89 = tpu.memref_slice %arg8[%dma_start3A_87, %dma_start3A_88] : memref<200x128xf32, #tpu.memory_space<vmem>> -> memref<104x128xf32, #tpu.memory_space<vmem>>
    %dma_start3A_90 = arith.constant 600 : i32
    %dma_start3A_91 = tpu.memref_slice %arg6[%dma_start3A_90] : memref<25600xi32, #tpu.memory_space<vmem>> -> memref<104xi32, #tpu.memory_space<vmem>>
    %dma_start3A_92 = arith.constant 0 : i32
    %dma_start3A_93 = arith.constant 0 : i32
    %dma_start3A_94 = tpu.memref_slice %arg3[%dma_start3A_92, %dma_start3A_93] : memref<100000x128xf32, #tpu.memory_space<hbm>> -> memref<100000x128xf32, #tpu.memory_space<hbm>>
    tpu.enqueue_indirect_dma source(%dma_start3A_94 : memref<100000x128xf32, #tpu.memory_space<hbm>>) target(%dma_start3A_89 : memref<104x128xf32, #tpu.memory_space<vmem>>) offsets(%dma_start3A_91 : memref<104xi32, #tpu.memory_space<vmem>>) semaphore(%arg11 : memref<!tpu.dma_semaphore, #tpu.memory_space<semaphore_mem>>)
    %dma_start3A_95 = arith.constant 104 : i32
    %dma_start3A_96 = arith.constant 0 : i32
    %dma_start3A_97 = tpu.memref_slice %arg8[%dma_start3A_95, %dma_start3A_96] : memref<200x128xf32, #tpu.memory_space<vmem>> -> memref<96x128xf32, #tpu.memory_space<vmem>>
    %dma_start3A_98 = arith.constant 704 : i32
    %dma_start3A_99 = tpu.memref_slice %arg6[%dma_start3A_98] : memref<25600xi32, #tpu.memory_space<vmem>> -> memref<96xi32, #tpu.memory_space<vmem>>
    %dma_start3A_100 = arith.constant 0 : i32
    %dma_start3A_101 = arith.constant 0 : i32
    %dma_start3A_102 = tpu.memref_slice %arg3[%dma_start3A_100, %dma_start3A_101] : memref<100000x128xf32, #tpu.memory_space<hbm>> -> memref<100000x128xf32, #tpu.memory_space<hbm>>
    tpu.enqueue_indirect_dma source(%dma_start3A_102 : memref<100000x128xf32, #tpu.memory_space<hbm>>) target(%dma_start3A_97 : memref<96x128xf32, #tpu.memory_space<vmem>>) offsets(%dma_start3A_99 : memref<96xi32, #tpu.memory_space<vmem>>) semaphore(%arg11 : memref<!tpu.dma_semaphore, #tpu.memory_space<semaphore_mem>>)
    %add3A_103 = arith.constant 1 : i32
    %add3A_104 = arith.addi %mul3A_2, %add3A_103 : i32
    %dma_start3A_105 = arith.constant 0 : i32
    %dma_start3A_106 = arith.constant 0 : i32
    %dma_start3A_107 = tpu.memref_slice %arg5[%add3A_104, %dma_start3A_105, %dma_start3A_106] : memref<4096x200x128xf32, #tpu.memory_space<hbm>> -> memref<1x200x128xf32, #tpu.memory_space<hbm>>
    %dma_start3A_108 = tpu.memref_squeeze %dma_start3A_107 : memref<1x200x128xf32, #tpu.memory_space<hbm>> -> memref<200x128xf32, #tpu.memory_space<hbm>>
    %dma_start3A_109 = arith.constant 0 : i32
    %dma_start3A_110 = arith.constant 0 : i32
    %dma_start3A_111 = tpu.memref_slice %arg5[%add3A_104, %dma_start3A_109, %dma_start3A_110] : memref<4096x200x128xf32, #tpu.memory_space<hbm>> -> memref<1x200x128xf32, #tpu.memory_space<hbm>>
    %dma_start3A_112 = tpu.memref_squeeze %dma_start3A_111 : memref<1x200x128xf32, #tpu.memory_space<hbm>> -> memref<200x128xf32, #tpu.memory_space<hbm>>
    tpu.enqueue_dma source(%arg9 : memref<200x128xf32, #tpu.memory_space<vmem>>) target(%dma_start3A_112 : memref<200x128xf32, #tpu.memory_space<hbm>>) target_semaphore(%arg15 : memref<!tpu.dma_semaphore, #tpu.memory_space<semaphore_mem>>)
    %scan3A = arith.constant 0 : i32
    %scan3A_113 = arith.constant 42 : i32
    %scan3A_114 = arith.addi %scan3A, %scan3A_113 : i32
    %scan3A_115 = arith.constant 1 : i32
    scf.for %scan3A_144 = %scan3A to %scan3A_114 step %scan3A_115  : i32 {
      %mul3A_145 = arith.constant 3 : i32
      %mul3A_146 = arith.muli %scan3A_144, %mul3A_145 : i32
      %add3A_147 = arith.constant 2 : i32
      %add3A_148 = arith.addi %add3A_147, %mul3A_146 : i32
      %add3A_149 = arith.constant 0 : i32
      %add3A_150 = arith.addi %add3A_148, %add3A_149 : i32
      %dma_wait3A_151 = arith.constant 0 : i32
      %dma_wait3A_152 = arith.constant 0 : i32
      %dma_wait3A_153 = tpu.memref_slice %arg3[%dma_wait3A_151, %dma_wait3A_152] : memref<100000x128xf32, #tpu.memory_space<hbm>> -> memref<200x128xf32, #tpu.memory_space<hbm>>
      %dma_wait3A_154 = arith.constant 0 : i32
      %dma_wait3A_155 = arith.constant 0 : i32
      %dma_wait3A_156 = tpu.memref_slice %arg3[%dma_wait3A_154, %dma_wait3A_155] : memref<100000x128xf32, #tpu.memory_space<hbm>> -> memref<200x128xf32, #tpu.memory_space<hbm>>
      tpu.wait_dma2 semaphore(%arg13 : memref<!tpu.dma_semaphore, #tpu.memory_space<semaphore_mem>>) src(%dma_wait3A_156 : memref<200x128xf32, #tpu.memory_space<hbm>>) dst(%arg10 : memref<200x128xf32, #tpu.memory_space<vmem>>)
      %parallel_loop3A_157 = arith.constant 0 : i32
      %parallel_loop3A_158 = arith.constant 200 : i32
      %parallel_loop3A_159 = arith.constant 1 : i32
      scf.for %parallel_loop3A_227 = %parallel_loop3A_157 to %parallel_loop3A_158 step %parallel_loop3A_159  : i32 {
        %parallel_loop3A_228 = arith.index_cast %parallel_loop3A_227 : i32 to index
        %parallel_loop3A_229 = arith.constant 0 : index
        %parallel_loop3A_230 = tpu.vector_load %arg10[%parallel_loop3A_228, %parallel_loop3A_229] {strides = array<i32>} : memref<200x128xf32, #tpu.memory_space<vmem>>, vector<1x16xf32>,
        %parallel_loop3A_231 = vector.shape_cast %parallel_loop3A_230 : vector<1x16xf32> to vector<16xf32>
        %parallel_loop3A_232 = arith.index_cast %parallel_loop3A_227 : i32 to index
        %parallel_loop3A_233 = arith.constant 0 : index
        %parallel_loop3A_234 = tpu.vector_load %arg7[%parallel_loop3A_232, %parallel_loop3A_233] {strides = array<i32>} : memref<200x128xf32, #tpu.memory_space<vmem>>, vector<1x16xf32>,
        %parallel_loop3A_235 = vector.shape_cast %parallel_loop3A_234 : vector<1x16xf32> to vector<16xf32>
        %parallel_loop3A_236 = arith.addf %parallel_loop3A_231, %parallel_loop3A_235 : vector<16xf32>
        %parallel_loop3A_237 = arith.index_cast %parallel_loop3A_227 : i32 to index
        %parallel_loop3A_238 = arith.constant 0 : index
        %parallel_loop3A_239 = tpu.vector_load %arg10[%parallel_loop3A_237, %parallel_loop3A_238] {strides = array<i32>} : memref<200x128xf32, #tpu.memory_space<vmem>>, vector<1x16xf32>,
        %parallel_loop3A_240 = vector.shape_cast %parallel_loop3A_239 : vector<1x16xf32> to vector<16xf32>
        %parallel_loop3A_241 = vector.shape_cast %parallel_loop3A_236 : vector<16xf32> to vector<1x16xf32>
        tpu.vector_store %arg10[%parallel_loop3A_237, %parallel_loop3A_238], %parallel_loop3A_241 {strides = array<i32>} : memref<200x128xf32, #tpu.memory_space<vmem>>, vector<1x16xf32>,
        %parallel_loop3A_242 = arith.index_cast %parallel_loop3A_227 : i32 to index
        %parallel_loop3A_243 = arith.constant 16 : index
        %parallel_loop3A_244 = tpu.vector_load %arg10[%parallel_loop3A_242, %parallel_loop3A_243] {strides = array<i32>} : memref<200x128xf32, #tpu.memory_space<vmem>>, vector<1x16xf32>,
        %parallel_loop3A_245 = vector.shape_cast %parallel_loop3A_244 : vector<1x16xf32> to vector<16xf32>
        %parallel_loop3A_246 = arith.index_cast %parallel_loop3A_227 : i32 to index
        %parallel_loop3A_247 = arith.constant 16 : index
        %parallel_loop3A_248 = tpu.vector_load %arg7[%parallel_loop3A_246, %parallel_loop3A_247] {strides = array<i32>} : memref<200x128xf32, #tpu.memory_space<vmem>>, vector<1x16xf32>,
        %parallel_loop3A_249 = vector.shape_cast %parallel_loop3A_248 : vector<1x16xf32> to vector<16xf32>
        %parallel_loop3A_250 = arith.addf %parallel_loop3A_245, %parallel_loop3A_249 : vector<16xf32>
        %parallel_loop3A_251 = arith.index_cast %parallel_loop3A_227 : i32 to index
        %parallel_loop3A_252 = arith.constant 16 : index
        %parallel_loop3A_253 = tpu.vector_load %arg10[%parallel_loop3A_251, %parallel_loop3A_252] {strides = array<i32>} : memref<200x128xf32, #tpu.memory_space<vmem>>, vector<1x16xf32>,
        %parallel_loop3A_254 = vector.shape_cast %parallel_loop3A_253 : vector<1x16xf32> to vector<16xf32>
        %parallel_loop3A_255 = vector.shape_cast %parallel_loop3A_250 : vector<16xf32> to vector<1x16xf32>
        tpu.vector_store %arg10[%parallel_loop3A_251, %parallel_loop3A_252], %parallel_loop3A_255 {strides = array<i32>} : memref<200x128xf32, #tpu.memory_space<vmem>>, vector<1x16xf32>,
        %parallel_loop3A_256 = arith.index_cast %parallel_loop3A_227 : i32 to index
        %parallel_loop3A_257 = arith.constant 32 : index
        %parallel_loop3A_258 = tpu.vector_load %arg10[%parallel_loop3A_256, %parallel_loop3A_257] {strides = array<i32>} : memref<200x128xf32, #tpu.memory_space<vmem>>, vector<1x16xf32>,
        %parallel_loop3A_259 = vector.shape_cast %parallel_loop3A_258 : vector<1x16xf32> to vector<16xf32>
        %parallel_loop3A_260 = arith.index_cast %parallel_loop3A_227 : i32 to index
        %parallel_loop3A_261 = arith.constant 32 : index
        %parallel_loop3A_262 = tpu.vector_load %arg7[%parallel_loop3A_260, %parallel_loop3A_261] {strides = array<i32>} : memref<200x128xf32, #tpu.memory_space<vmem>>, vector<1x16xf32>,
        %parallel_loop3A_263 = vector.shape_cast %parallel_loop3A_262 : vector<1x16xf32> to vector<16xf32>
        %parallel_loop3A_264 = arith.addf %parallel_loop3A_259, %parallel_loop3A_263 : vector<16xf32>
        %parallel_loop3A_265 = arith.index_cast %parallel_loop3A_227 : i32 to index
        %parallel_loop3A_266 = arith.constant 32 : index
        %parallel_loop3A_267 = tpu.vector_load %arg10[%parallel_loop3A_265, %parallel_loop3A_266] {strides = array<i32>} : memref<200x128xf32, #tpu.memory_space<vmem>>, vector<1x16xf32>,
        %parallel_loop3A_268 = vector.shape_cast %parallel_loop3A_267 : vector<1x16xf32> to vector<16xf32>
        %parallel_loop3A_269 = vector.shape_cast %parallel_loop3A_264 : vector<16xf32> to vector<1x16xf32>
        tpu.vector_store %arg10[%parallel_loop3A_265, %parallel_loop3A_266], %parallel_loop3A_269 {strides = array<i32>} : memref<200x128xf32, #tpu.memory_space<vmem>>, vector<1x16xf32>,
        %parallel_loop3A_270 = arith.index_cast %parallel_loop3A_227 : i32 to index
        %parallel_loop3A_271 = arith.constant 48 : index
        %parallel_loop3A_272 = tpu.vector_load %arg10[%parallel_loop3A_270, %parallel_loop3A_271] {strides = array<i32>} : memref<200x128xf32, #tpu.memory_space<vmem>>, vector<1x16xf32>,
        %parallel_loop3A_273 = vector.shape_cast %parallel_loop3A_272 : vector<1x16xf32> to vector<16xf32>
        %parallel_loop3A_274 = arith.index_cast %parallel_loop3A_227 : i32 to index
        %parallel_loop3A_275 = arith.constant 48 : index
        %parallel_loop3A_276 = tpu.vector_load %arg7[%parallel_loop3A_274, %parallel_loop3A_275] {strides = array<i32>} : memref<200x128xf32, #tpu.memory_space<vmem>>, vector<1x16xf32>,
        %parallel_loop3A_277 = vector.shape_cast %parallel_loop3A_276 : vector<1x16xf32> to vector<16xf32>
        %parallel_loop3A_278 = arith.addf %parallel_loop3A_273, %parallel_loop3A_277 : vector<16xf32>
        %parallel_loop3A_279 = arith.index_cast %parallel_loop3A_227 : i32 to index
        %parallel_loop3A_280 = arith.constant 48 : index
        %parallel_loop3A_281 = tpu.vector_load %arg10[%parallel_loop3A_279, %parallel_loop3A_280] {strides = array<i32>} : memref<200x128xf32, #tpu.memory_space<vmem>>, vector<1x16xf32>,
        %parallel_loop3A_282 = vector.shape_cast %parallel_loop3A_281 : vector<1x16xf32> to vector<16xf32>
        %parallel_loop3A_283 = vector.shape_cast %parallel_loop3A_278 : vector<16xf32> to vector<1x16xf32>
        tpu.vector_store %arg10[%parallel_loop3A_279, %parallel_loop3A_280], %parallel_loop3A_283 {strides = array<i32>} : memref<200x128xf32, #tpu.memory_space<vmem>>, vector<1x16xf32>,
        %parallel_loop3A_284 = arith.index_cast %parallel_loop3A_227 : i32 to index
        %parallel_loop3A_285 = arith.constant 64 : index
        %parallel_loop3A_286 = tpu.vector_load %arg10[%parallel_loop3A_284, %parallel_loop3A_285] {strides = array<i32>} : memref<200x128xf32, #tpu.memory_space<vmem>>, vector<1x16xf32>,
        %parallel_loop3A_287 = vector.shape_cast %parallel_loop3A_286 : vector<1x16xf32> to vector<16xf32>
        %parallel_loop3A_288 = arith.index_cast %parallel_loop3A_227 : i32 to index
        %parallel_loop3A_289 = arith.constant 64 : index
        %parallel_loop3A_290 = tpu.vector_load %arg7[%parallel_loop3A_288, %parallel_loop3A_289] {strides = array<i32>} : memref<200x128xf32, #tpu.memory_space<vmem>>, vector<1x16xf32>,
        %parallel_loop3A_291 = vector.shape_cast %parallel_loop3A_290 : vector<1x16xf32> to vector<16xf32>
        %parallel_loop3A_292 = arith.addf %parallel_loop3A_287, %parallel_loop3A_291 : vector<16xf32>
        %parallel_loop3A_293 = arith.index_cast %parallel_loop3A_227 : i32 to index
        %parallel_loop3A_294 = arith.constant 64 : index
        %parallel_loop3A_295 = tpu.vector_load %arg10[%parallel_loop3A_293, %parallel_loop3A_294] {strides = array<i32>} : memref<200x128xf32, #tpu.memory_space<vmem>>, vector<1x16xf32>,
        %parallel_loop3A_296 = vector.shape_cast %parallel_loop3A_295 : vector<1x16xf32> to vector<16xf32>
        %parallel_loop3A_297 = vector.shape_cast %parallel_loop3A_292 : vector<16xf32> to vector<1x16xf32>
        tpu.vector_store %arg10[%parallel_loop3A_293, %parallel_loop3A_294], %parallel_loop3A_297 {strides = array<i32>} : memref<200x128xf32, #tpu.memory_space<vmem>>, vector<1x16xf32>,
        %parallel_loop3A_298 = arith.index_cast %parallel_loop3A_227 : i32 to index
        %parallel_loop3A_299 = arith.constant 80 : index
        %parallel_loop3A_300 = tpu.vector_load %arg10[%parallel_loop3A_298, %parallel_loop3A_299] {strides = array<i32>} : memref<200x128xf32, #tpu.memory_space<vmem>>, vector<1x16xf32>,
        %parallel_loop3A_301 = vector.shape_cast %parallel_loop3A_300 : vector<1x16xf32> to vector<16xf32>
        %parallel_loop3A_302 = arith.index_cast %parallel_loop3A_227 : i32 to index
        %parallel_loop3A_303 = arith.constant 80 : index
        %parallel_loop3A_304 = tpu.vector_load %arg7[%parallel_loop3A_302, %parallel_loop3A_303] {strides = array<i32>} : memref<200x128xf32, #tpu.memory_space<vmem>>, vector<1x16xf32>,
        %parallel_loop3A_305 = vector.shape_cast %parallel_loop3A_304 : vector<1x16xf32> to vector<16xf32>
        %parallel_loop3A_306 = arith.addf %parallel_loop3A_301, %parallel_loop3A_305 : vector<16xf32>
        %parallel_loop3A_307 = arith.index_cast %parallel_loop3A_227 : i32 to index
        %parallel_loop3A_308 = arith.constant 80 : index
        %parallel_loop3A_309 = tpu.vector_load %arg10[%parallel_loop3A_307, %parallel_loop3A_308] {strides = array<i32>} : memref<200x128xf32, #tpu.memory_space<vmem>>, vector<1x16xf32>,
        %parallel_loop3A_310 = vector.shape_cast %parallel_loop3A_309 : vector<1x16xf32> to vector<16xf32>
        %parallel_loop3A_311 = vector.shape_cast %parallel_loop3A_306 : vector<16xf32> to vector<1x16xf32>
        tpu.vector_store %arg10[%parallel_loop3A_307, %parallel_loop3A_308], %parallel_loop3A_311 {strides = array<i32>} : memref<200x128xf32, #tpu.memory_space<vmem>>, vector<1x16xf32>,
        %parallel_loop3A_312 = arith.index_cast %parallel_loop3A_227 : i32 to index
        %parallel_loop3A_313 = arith.constant 96 : index
        %parallel_loop3A_314 = tpu.vector_load %arg10[%parallel_loop3A_312, %parallel_loop3A_313] {strides = array<i32>} : memref<200x128xf32, #tpu.memory_space<vmem>>, vector<1x16xf32>,
        %parallel_loop3A_315 = vector.shape_cast %parallel_loop3A_314 : vector<1x16xf32> to vector<16xf32>
        %parallel_loop3A_316 = arith.index_cast %parallel_loop3A_227 : i32 to index
        %parallel_loop3A_317 = arith.constant 96 : index
        %parallel_loop3A_318 = tpu.vector_load %arg7[%parallel_loop3A_316, %parallel_loop3A_317] {strides = array<i32>} : memref<200x128xf32, #tpu.memory_space<vmem>>, vector<1x16xf32>,
        %parallel_loop3A_319 = vector.shape_cast %parallel_loop3A_318 : vector<1x16xf32> to vector<16xf32>
        %parallel_loop3A_320 = arith.addf %parallel_loop3A_315, %parallel_loop3A_319 : vector<16xf32>
        %parallel_loop3A_321 = arith.index_cast %parallel_loop3A_227 : i32 to index
        %parallel_loop3A_322 = arith.constant 96 : index
        %parallel_loop3A_323 = tpu.vector_load %arg10[%parallel_loop3A_321, %parallel_loop3A_322] {strides = array<i32>} : memref<200x128xf32, #tpu.memory_space<vmem>>, vector<1x16xf32>,
        %parallel_loop3A_324 = vector.shape_cast %parallel_loop3A_323 : vector<1x16xf32> to vector<16xf32>
        %parallel_loop3A_325 = vector.shape_cast %parallel_loop3A_320 : vector<16xf32> to vector<1x16xf32>
        tpu.vector_store %arg10[%parallel_loop3A_321, %parallel_loop3A_322], %parallel_loop3A_325 {strides = array<i32>} : memref<200x128xf32, #tpu.memory_space<vmem>>, vector<1x16xf32>,
        %parallel_loop3A_326 = arith.index_cast %parallel_loop3A_227 : i32 to index
        %parallel_loop3A_327 = arith.constant 112 : index
        %parallel_loop3A_328 = tpu.vector_load %arg10[%parallel_loop3A_326, %parallel_loop3A_327] {strides = array<i32>} : memref<200x128xf32, #tpu.memory_space<vmem>>, vector<1x16xf32>,
        %parallel_loop3A_329 = vector.shape_cast %parallel_loop3A_328 : vector<1x16xf32> to vector<16xf32>
        %parallel_loop3A_330 = arith.index_cast %parallel_loop3A_227 : i32 to index
        %parallel_loop3A_331 = arith.constant 112 : index
        %parallel_loop3A_332 = tpu.vector_load %arg7[%parallel_loop3A_330, %parallel_loop3A_331] {strides = array<i32>} : memref<200x128xf32, #tpu.memory_space<vmem>>, vector<1x16xf32>,
        %parallel_loop3A_333 = vector.shape_cast %parallel_loop3A_332 : vector<1x16xf32> to vector<16xf32>
        %parallel_loop3A_334 = arith.addf %parallel_loop3A_329, %parallel_loop3A_333 : vector<16xf32>
        %parallel_loop3A_335 = arith.index_cast %parallel_loop3A_227 : i32 to index
        %parallel_loop3A_336 = arith.constant 112 : index
        %parallel_loop3A_337 = tpu.vector_load %arg10[%parallel_loop3A_335, %parallel_loop3A_336] {strides = array<i32>} : memref<200x128xf32, #tpu.memory_space<vmem>>, vector<1x16xf32>,
        %parallel_loop3A_338 = vector.shape_cast %parallel_loop3A_337 : vector<1x16xf32> to vector<16xf32>
        %parallel_loop3A_339 = vector.shape_cast %parallel_loop3A_334 : vector<16xf32> to vector<1x16xf32>
        tpu.vector_store %arg10[%parallel_loop3A_335, %parallel_loop3A_336], %parallel_loop3A_339 {strides = array<i32>} : memref<200x128xf32, #tpu.memory_space<vmem>>, vector<1x16xf32>,
      } {sc.loop_unroll_factor = 2 : i64, sc.parallel_access}
      %add3A_160 = arith.constant 2 : i32
      %add3A_161 = arith.addi %add3A_150, %add3A_160 : i32
      %lt3A = arith.constant 128 : i32
      %lt3A_162 = arith.cmpi slt, %add3A_161, %lt3A : i32
      %convert_element_type3A = arith.extui %lt3A_162 : i1 to i32
      %cond3A = arith.constant 0 : i32
      %cond3A_163 = arith.cmpi ne, %convert_element_type3A, %cond3A : i32
      scf.if %cond3A_163 {
        %dma_wait3A_227 = arith.constant 0 : i32
        %dma_wait3A_228 = arith.constant 0 : i32
        %dma_wait3A_229 = arith.constant 0 : i32
        %dma_wait3A_230 = tpu.memref_slice %arg5[%dma_wait3A_227, %dma_wait3A_228, %dma_wait3A_229] : memref<4096x200x128xf32, #tpu.memory_space<hbm>> -> memref<1x200x128xf32, #tpu.memory_space<hbm>>
        %dma_wait3A_231 = tpu.memref_squeeze %dma_wait3A_230 : memref<1x200x128xf32, #tpu.memory_space<hbm>> -> memref<200x128xf32, #tpu.memory_space<hbm>>
        %dma_wait3A_232 = arith.constant 0 : i32
        %dma_wait3A_233 = arith.constant 0 : i32
        %dma_wait3A_234 = tpu.memref_slice %arg5[%dma_wait3A_227, %dma_wait3A_232, %dma_wait3A_233] : memref<4096x200x128xf32, #tpu.memory_space<hbm>> -> memref<1x200x128xf32, #tpu.memory_space<hbm>>
        %dma_wait3A_235 = tpu.memref_squeeze %dma_wait3A_234 : memref<1x200x128xf32, #tpu.memory_space<hbm>> -> memref<200x128xf32, #tpu.memory_space<hbm>>
        tpu.wait_dma2 semaphore(%arg15 : memref<!tpu.dma_semaphore, #tpu.memory_space<semaphore_mem>>) src(%arg9 : memref<200x128xf32, #tpu.memory_space<vmem>>) dst(%dma_wait3A_235 : memref<200x128xf32, #tpu.memory_space<hbm>>)
        %add3A_236 = arith.constant 2 : i32
        %add3A_237 = arith.addi %add3A_150, %add3A_236 : i32
        %mul3A_238 = arith.constant 200 : i32
        %mul3A_239 = arith.muli %add3A_237, %mul3A_238 : i32
        %dma_start3A_240 = arith.constant 0 : i32
        %dma_start3A_241 = arith.constant 0 : i32
        %dma_start3A_242 = tpu.memref_slice %arg9[%dma_start3A_240, %dma_start3A_241] : memref<200x128xf32, #tpu.memory_space<vmem>> -> memref<104x128xf32, #tpu.memory_space<vmem>>
        %dma_start3A_243 = tpu.memref_slice %arg6[%mul3A_239] : memref<25600xi32, #tpu.memory_space<vmem>> -> memref<104xi32, #tpu.memory_space<vmem>>
        %dma_start3A_244 = arith.constant 0 : i32
        %dma_start3A_245 = arith.constant 0 : i32
        %dma_start3A_246 = tpu.memref_slice %arg3[%dma_start3A_244, %dma_start3A_245] : memref<100000x128xf32, #tpu.memory_space<hbm>> -> memref<100000x128xf32, #tpu.memory_space<hbm>>
        tpu.enqueue_indirect_dma source(%dma_start3A_246 : memref<100000x128xf32, #tpu.memory_space<hbm>>) target(%dma_start3A_242 : memref<104x128xf32, #tpu.memory_space<vmem>>) offsets(%dma_start3A_243 : memref<104xi32, #tpu.memory_space<vmem>>) semaphore(%arg12 : memref<!tpu.dma_semaphore, #tpu.memory_space<semaphore_mem>>)
        %add3A_247 = arith.constant 104 : i32
        %add3A_248 = arith.addi %mul3A_239, %add3A_247 : i32
        %dma_start3A_249 = arith.constant 104 : i32
        %dma_start3A_250 = arith.constant 0 : i32
        %dma_start3A_251 = tpu.memref_slice %arg9[%dma_start3A_249, %dma_start3A_250] : memref<200x128xf32, #tpu.memory_space<vmem>> -> memref<96x128xf32, #tpu.memory_space<vmem>>
        %dma_start3A_252 = tpu.memref_slice %arg6[%add3A_248] : memref<25600xi32, #tpu.memory_space<vmem>> -> memref<96xi32, #tpu.memory_space<vmem>>
        %dma_start3A_253 = arith.constant 0 : i32
        %dma_start3A_254 = arith.constant 0 : i32
        %dma_start3A_255 = tpu.memref_slice %arg3[%dma_start3A_253, %dma_start3A_254] : memref<100000x128xf32, #tpu.memory_space<hbm>> -> memref<100000x128xf32, #tpu.memory_space<hbm>>
        tpu.enqueue_indirect_dma source(%dma_start3A_255 : memref<100000x128xf32, #tpu.memory_space<hbm>>) target(%dma_start3A_251 : memref<96x128xf32, #tpu.memory_space<vmem>>) offsets(%dma_start3A_252 : memref<96xi32, #tpu.memory_space<vmem>>) semaphore(%arg12 : memref<!tpu.dma_semaphore, #tpu.memory_space<semaphore_mem>>)
      } else {
      }
      %add3A_164 = arith.addi %mul3A_2, %add3A_150 : i32
      %dma_start3A_165 = arith.constant 0 : i32
      %dma_start3A_166 = arith.constant 0 : i32
      %dma_start3A_167 = tpu.memref_slice %arg5[%add3A_164, %dma_start3A_165, %dma_start3A_166] : memref<4096x200x128xf32, #tpu.memory_space<hbm>> -> memref<1x200x128xf32, #tpu.memory_space<hbm>>
      %dma_start3A_168 = tpu.memref_squeeze %dma_start3A_167 : memref<1x200x128xf32, #tpu.memory_space<hbm>> -> memref<200x128xf32, #tpu.memory_space<hbm>>
      %dma_start3A_169 = arith.constant 0 : i32
      %dma_start3A_170 = arith.constant 0 : i32
      %dma_start3A_171 = tpu.memref_slice %arg5[%add3A_164, %dma_start3A_169, %dma_start3A_170] : memref<4096x200x128xf32, #tpu.memory_space<hbm>> -> memref<1x200x128xf32, #tpu.memory_space<hbm>>
      %dma_start3A_172 = tpu.memref_squeeze %dma_start3A_171 : memref<1x200x128xf32, #tpu.memory_space<hbm>> -> memref<200x128xf32, #tpu.memory_space<hbm>>
      tpu.enqueue_dma source(%arg10 : memref<200x128xf32, #tpu.memory_space<vmem>>) target(%dma_start3A_172 : memref<200x128xf32, #tpu.memory_space<hbm>>) target_semaphore(%arg16 : memref<!tpu.dma_semaphore, #tpu.memory_space<semaphore_mem>>)
      %add3A_173 = arith.constant 1 : i32
      %add3A_174 = arith.addi %add3A_148, %add3A_173 : i32
      %dma_wait3A_175 = arith.constant 0 : i32
      %dma_wait3A_176 = arith.constant 0 : i32
      %dma_wait3A_177 = tpu.memref_slice %arg3[%dma_wait3A_175, %dma_wait3A_176] : memref<100000x128xf32, #tpu.memory_space<hbm>> -> memref<200x128xf32, #tpu.memory_space<hbm>>
      %dma_wait3A_178 = arith.constant 0 : i32
      %dma_wait3A_179 = arith.constant 0 : i32
      %dma_wait3A_180 = tpu.memref_slice %arg3[%dma_wait3A_178, %dma_wait3A_179] : memref<100000x128xf32, #tpu.memory_space<hbm>> -> memref<200x128xf32, #tpu.memory_space<hbm>>
      tpu.wait_dma2 semaphore(%arg11 : memref<!tpu.dma_semaphore, #tpu.memory_space<semaphore_mem>>) src(%dma_wait3A_180 : memref<200x128xf32, #tpu.memory_space<hbm>>) dst(%arg8 : memref<200x128xf32, #tpu.memory_space<vmem>>)
      %parallel_loop3A_181 = arith.constant 0 : i32
      %parallel_loop3A_182 = arith.constant 200 : i32
      %parallel_loop3A_183 = arith.constant 1 : i32
      scf.for %parallel_loop3A_227 = %parallel_loop3A_181 to %parallel_loop3A_182 step %parallel_loop3A_183  : i32 {
        %parallel_loop3A_228 = arith.index_cast %parallel_loop3A_227 : i32 to index
        %parallel_loop3A_229 = arith.constant 0 : index
        %parallel_loop3A_230 = tpu.vector_load %arg8[%parallel_loop3A_228, %parallel_loop3A_229] {strides = array<i32>} : memref<200x128xf32, #tpu.memory_space<vmem>>, vector<1x16xf32>,
        %parallel_loop3A_231 = vector.shape_cast %parallel_loop3A_230 : vector<1x16xf32> to vector<16xf32>
        %parallel_loop3A_232 = arith.index_cast %parallel_loop3A_227 : i32 to index
        %parallel_loop3A_233 = arith.constant 0 : index
        %parallel_loop3A_234 = tpu.vector_load %arg7[%parallel_loop3A_232, %parallel_loop3A_233] {strides = array<i32>} : memref<200x128xf32, #tpu.memory_space<vmem>>, vector<1x16xf32>,
        %parallel_loop3A_235 = vector.shape_cast %parallel_loop3A_234 : vector<1x16xf32> to vector<16xf32>
        %parallel_loop3A_236 = arith.addf %parallel_loop3A_231, %parallel_loop3A_235 : vector<16xf32>
        %parallel_loop3A_237 = arith.index_cast %parallel_loop3A_227 : i32 to index
        %parallel_loop3A_238 = arith.constant 0 : index
        %parallel_loop3A_239 = tpu.vector_load %arg8[%parallel_loop3A_237, %parallel_loop3A_238] {strides = array<i32>} : memref<200x128xf32, #tpu.memory_space<vmem>>, vector<1x16xf32>,
        %parallel_loop3A_240 = vector.shape_cast %parallel_loop3A_239 : vector<1x16xf32> to vector<16xf32>
        %parallel_loop3A_241 = vector.shape_cast %parallel_loop3A_236 : vector<16xf32> to vector<1x16xf32>
        tpu.vector_store %arg8[%parallel_loop3A_237, %parallel_loop3A_238], %parallel_loop3A_241 {strides = array<i32>} : memref<200x128xf32, #tpu.memory_space<vmem>>, vector<1x16xf32>,
        %parallel_loop3A_242 = arith.index_cast %parallel_loop3A_227 : i32 to index
        %parallel_loop3A_243 = arith.constant 16 : index
        %parallel_loop3A_244 = tpu.vector_load %arg8[%parallel_loop3A_242, %parallel_loop3A_243] {strides = array<i32>} : memref<200x128xf32, #tpu.memory_space<vmem>>, vector<1x16xf32>,
        %parallel_loop3A_245 = vector.shape_cast %parallel_loop3A_244 : vector<1x16xf32> to vector<16xf32>
        %parallel_loop3A_246 = arith.index_cast %parallel_loop3A_227 : i32 to index
        %parallel_loop3A_247 = arith.constant 16 : index
        %parallel_loop3A_248 = tpu.vector_load %arg7[%parallel_loop3A_246, %parallel_loop3A_247] {strides = array<i32>} : memref<200x128xf32, #tpu.memory_space<vmem>>, vector<1x16xf32>,
        %parallel_loop3A_249 = vector.shape_cast %parallel_loop3A_248 : vector<1x16xf32> to vector<16xf32>
        %parallel_loop3A_250 = arith.addf %parallel_loop3A_245, %parallel_loop3A_249 : vector<16xf32>
        %parallel_loop3A_251 = arith.index_cast %parallel_loop3A_227 : i32 to index
        %parallel_loop3A_252 = arith.constant 16 : index
        %parallel_loop3A_253 = tpu.vector_load %arg8[%parallel_loop3A_251, %parallel_loop3A_252] {strides = array<i32>} : memref<200x128xf32, #tpu.memory_space<vmem>>, vector<1x16xf32>,
        %parallel_loop3A_254 = vector.shape_cast %parallel_loop3A_253 : vector<1x16xf32> to vector<16xf32>
        %parallel_loop3A_255 = vector.shape_cast %parallel_loop3A_250 : vector<16xf32> to vector<1x16xf32>
        tpu.vector_store %arg8[%parallel_loop3A_251, %parallel_loop3A_252], %parallel_loop3A_255 {strides = array<i32>} : memref<200x128xf32, #tpu.memory_space<vmem>>, vector<1x16xf32>,
        %parallel_loop3A_256 = arith.index_cast %parallel_loop3A_227 : i32 to index
        %parallel_loop3A_257 = arith.constant 32 : index
        %parallel_loop3A_258 = tpu.vector_load %arg8[%parallel_loop3A_256, %parallel_loop3A_257] {strides = array<i32>} : memref<200x128xf32, #tpu.memory_space<vmem>>, vector<1x16xf32>,
        %parallel_loop3A_259 = vector.shape_cast %parallel_loop3A_258 : vector<1x16xf32> to vector<16xf32>
        %parallel_loop3A_260 = arith.index_cast %parallel_loop3A_227 : i32 to index
        %parallel_loop3A_261 = arith.constant 32 : index
        %parallel_loop3A_262 = tpu.vector_load %arg7[%parallel_loop3A_260, %parallel_loop3A_261] {strides = array<i32>} : memref<200x128xf32, #tpu.memory_space<vmem>>, vector<1x16xf32>,
        %parallel_loop3A_263 = vector.shape_cast %parallel_loop3A_262 : vector<1x16xf32> to vector<16xf32>
        %parallel_loop3A_264 = arith.addf %parallel_loop3A_259, %parallel_loop3A_263 : vector<16xf32>
        %parallel_loop3A_265 = arith.index_cast %parallel_loop3A_227 : i32 to index
        %parallel_loop3A_266 = arith.constant 32 : index
        %parallel_loop3A_267 = tpu.vector_load %arg8[%parallel_loop3A_265, %parallel_loop3A_266] {strides = array<i32>} : memref<200x128xf32, #tpu.memory_space<vmem>>, vector<1x16xf32>,
        %parallel_loop3A_268 = vector.shape_cast %parallel_loop3A_267 : vector<1x16xf32> to vector<16xf32>
        %parallel_loop3A_269 = vector.shape_cast %parallel_loop3A_264 : vector<16xf32> to vector<1x16xf32>
        tpu.vector_store %arg8[%parallel_loop3A_265, %parallel_loop3A_266], %parallel_loop3A_269 {strides = array<i32>} : memref<200x128xf32, #tpu.memory_space<vmem>>, vector<1x16xf32>,
        %parallel_loop3A_270 = arith.index_cast %parallel_loop3A_227 : i32 to index
        %parallel_loop3A_271 = arith.constant 48 : index
        %parallel_loop3A_272 = tpu.vector_load %arg8[%parallel_loop3A_270, %parallel_loop3A_271] {strides = array<i32>} : memref<200x128xf32, #tpu.memory_space<vmem>>, vector<1x16xf32>,
        %parallel_loop3A_273 = vector.shape_cast %parallel_loop3A_272 : vector<1x16xf32> to vector<16xf32>
        %parallel_loop3A_274 = arith.index_cast %parallel_loop3A_227 : i32 to index
        %parallel_loop3A_275 = arith.constant 48 : index
        %parallel_loop3A_276 = tpu.vector_load %arg7[%parallel_loop3A_274, %parallel_loop3A_275] {strides = array<i32>} : memref<200x128xf32, #tpu.memory_space<vmem>>, vector<1x16xf32>,
        %parallel_loop3A_277 = vector.shape_cast %parallel_loop3A_276 : vector<1x16xf32> to vector<16xf32>
        %parallel_loop3A_278 = arith.addf %parallel_loop3A_273, %parallel_loop3A_277 : vector<16xf32>
        %parallel_loop3A_279 = arith.index_cast %parallel_loop3A_227 : i32 to index
        %parallel_loop3A_280 = arith.constant 48 : index
        %parallel_loop3A_281 = tpu.vector_load %arg8[%parallel_loop3A_279, %parallel_loop3A_280] {strides = array<i32>} : memref<200x128xf32, #tpu.memory_space<vmem>>, vector<1x16xf32>,
        %parallel_loop3A_282 = vector.shape_cast %parallel_loop3A_281 : vector<1x16xf32> to vector<16xf32>
        %parallel_loop3A_283 = vector.shape_cast %parallel_loop3A_278 : vector<16xf32> to vector<1x16xf32>
        tpu.vector_store %arg8[%parallel_loop3A_279, %parallel_loop3A_280], %parallel_loop3A_283 {strides = array<i32>} : memref<200x128xf32, #tpu.memory_space<vmem>>, vector<1x16xf32>,
        %parallel_loop3A_284 = arith.index_cast %parallel_loop3A_227 : i32 to index
        %parallel_loop3A_285 = arith.constant 64 : index
        %parallel_loop3A_286 = tpu.vector_load %arg8[%parallel_loop3A_284, %parallel_loop3A_285] {strides = array<i32>} : memref<200x128xf32, #tpu.memory_space<vmem>>, vector<1x16xf32>,
        %parallel_loop3A_287 = vector.shape_cast %parallel_loop3A_286 : vector<1x16xf32> to vector<16xf32>
        %parallel_loop3A_288 = arith.index_cast %parallel_loop3A_227 : i32 to index
        %parallel_loop3A_289 = arith.constant 64 : index
        %parallel_loop3A_290 = tpu.vector_load %arg7[%parallel_loop3A_288, %parallel_loop3A_289] {strides = array<i32>} : memref<200x128xf32, #tpu.memory_space<vmem>>, vector<1x16xf32>,
        %parallel_loop3A_291 = vector.shape_cast %parallel_loop3A_290 : vector<1x16xf32> to vector<16xf32>
        %parallel_loop3A_292 = arith.addf %parallel_loop3A_287, %parallel_loop3A_291 : vector<16xf32>
        %parallel_loop3A_293 = arith.index_cast %parallel_loop3A_227 : i32 to index
        %parallel_loop3A_294 = arith.constant 64 : index
        %parallel_loop3A_295 = tpu.vector_load %arg8[%parallel_loop3A_293, %parallel_loop3A_294] {strides = array<i32>} : memref<200x128xf32, #tpu.memory_space<vmem>>, vector<1x16xf32>,
        %parallel_loop3A_296 = vector.shape_cast %parallel_loop3A_295 : vector<1x16xf32> to vector<16xf32>
        %parallel_loop3A_297 = vector.shape_cast %parallel_loop3A_292 : vector<16xf32> to vector<1x16xf32>
        tpu.vector_store %arg8[%parallel_loop3A_293, %parallel_loop3A_294], %parallel_loop3A_297 {strides = array<i32>} : memref<200x128xf32, #tpu.memory_space<vmem>>, vector<1x16xf32>,
        %parallel_loop3A_298 = arith.index_cast %parallel_loop3A_227 : i32 to index
        %parallel_loop3A_299 = arith.constant 80 : index
        %parallel_loop3A_300 = tpu.vector_load %arg8[%parallel_loop3A_298, %parallel_loop3A_299] {strides = array<i32>} : memref<200x128xf32, #tpu.memory_space<vmem>>, vector<1x16xf32>,
        %parallel_loop3A_301 = vector.shape_cast %parallel_loop3A_300 : vector<1x16xf32> to vector<16xf32>
        %parallel_loop3A_302 = arith.index_cast %parallel_loop3A_227 : i32 to index
        %parallel_loop3A_303 = arith.constant 80 : index
        %parallel_loop3A_304 = tpu.vector_load %arg7[%parallel_loop3A_302, %parallel_loop3A_303] {strides = array<i32>} : memref<200x128xf32, #tpu.memory_space<vmem>>, vector<1x16xf32>,
        %parallel_loop3A_305 = vector.shape_cast %parallel_loop3A_304 : vector<1x16xf32> to vector<16xf32>
        %parallel_loop3A_306 = arith.addf %parallel_loop3A_301, %parallel_loop3A_305 : vector<16xf32>
        %parallel_loop3A_307 = arith.index_cast %parallel_loop3A_227 : i32 to index
        %parallel_loop3A_308 = arith.constant 80 : index
        %parallel_loop3A_309 = tpu.vector_load %arg8[%parallel_loop3A_307, %parallel_loop3A_308] {strides = array<i32>} : memref<200x128xf32, #tpu.memory_space<vmem>>, vector<1x16xf32>,
        %parallel_loop3A_310 = vector.shape_cast %parallel_loop3A_309 : vector<1x16xf32> to vector<16xf32>
        %parallel_loop3A_311 = vector.shape_cast %parallel_loop3A_306 : vector<16xf32> to vector<1x16xf32>
        tpu.vector_store %arg8[%parallel_loop3A_307, %parallel_loop3A_308], %parallel_loop3A_311 {strides = array<i32>} : memref<200x128xf32, #tpu.memory_space<vmem>>, vector<1x16xf32>,
        %parallel_loop3A_312 = arith.index_cast %parallel_loop3A_227 : i32 to index
        %parallel_loop3A_313 = arith.constant 96 : index
        %parallel_loop3A_314 = tpu.vector_load %arg8[%parallel_loop3A_312, %parallel_loop3A_313] {strides = array<i32>} : memref<200x128xf32, #tpu.memory_space<vmem>>, vector<1x16xf32>,
        %parallel_loop3A_315 = vector.shape_cast %parallel_loop3A_314 : vector<1x16xf32> to vector<16xf32>
        %parallel_loop3A_316 = arith.index_cast %parallel_loop3A_227 : i32 to index
        %parallel_loop3A_317 = arith.constant 96 : index
        %parallel_loop3A_318 = tpu.vector_load %arg7[%parallel_loop3A_316, %parallel_loop3A_317] {strides = array<i32>} : memref<200x128xf32, #tpu.memory_space<vmem>>, vector<1x16xf32>,
        %parallel_loop3A_319 = vector.shape_cast %parallel_loop3A_318 : vector<1x16xf32> to vector<16xf32>
        %parallel_loop3A_320 = arith.addf %parallel_loop3A_315, %parallel_loop3A_319 : vector<16xf32>
        %parallel_loop3A_321 = arith.index_cast %parallel_loop3A_227 : i32 to index
        %parallel_loop3A_322 = arith.constant 96 : index
        %parallel_loop3A_323 = tpu.vector_load %arg8[%parallel_loop3A_321, %parallel_loop3A_322] {strides = array<i32>} : memref<200x128xf32, #tpu.memory_space<vmem>>, vector<1x16xf32>,
        %parallel_loop3A_324 = vector.shape_cast %parallel_loop3A_323 : vector<1x16xf32> to vector<16xf32>
        %parallel_loop3A_325 = vector.shape_cast %parallel_loop3A_320 : vector<16xf32> to vector<1x16xf32>
        tpu.vector_store %arg8[%parallel_loop3A_321, %parallel_loop3A_322], %parallel_loop3A_325 {strides = array<i32>} : memref<200x128xf32, #tpu.memory_space<vmem>>, vector<1x16xf32>,
        %parallel_loop3A_326 = arith.index_cast %parallel_loop3A_227 : i32 to index
        %parallel_loop3A_327 = arith.constant 112 : index
        %parallel_loop3A_328 = tpu.vector_load %arg8[%parallel_loop3A_326, %parallel_loop3A_327] {strides = array<i32>} : memref<200x128xf32, #tpu.memory_space<vmem>>, vector<1x16xf32>,
        %parallel_loop3A_329 = vector.shape_cast %parallel_loop3A_328 : vector<1x16xf32> to vector<16xf32>
        %parallel_loop3A_330 = arith.index_cast %parallel_loop3A_227 : i32 to index
        %parallel_loop3A_331 = arith.constant 112 : index
        %parallel_loop3A_332 = tpu.vector_load %arg7[%parallel_loop3A_330, %parallel_loop3A_331] {strides = array<i32>} : memref<200x128xf32, #tpu.memory_space<vmem>>, vector<1x16xf32>,
        %parallel_loop3A_333 = vector.shape_cast %parallel_loop3A_332 : vector<1x16xf32> to vector<16xf32>
        %parallel_loop3A_334 = arith.addf %parallel_loop3A_329, %parallel_loop3A_333 : vector<16xf32>
        %parallel_loop3A_335 = arith.index_cast %parallel_loop3A_227 : i32 to index
        %parallel_loop3A_336 = arith.constant 112 : index
        %parallel_loop3A_337 = tpu.vector_load %arg8[%parallel_loop3A_335, %parallel_loop3A_336] {strides = array<i32>} : memref<200x128xf32, #tpu.memory_space<vmem>>, vector<1x16xf32>,
        %parallel_loop3A_338 = vector.shape_cast %parallel_loop3A_337 : vector<1x16xf32> to vector<16xf32>
        %parallel_loop3A_339 = vector.shape_cast %parallel_loop3A_334 : vector<16xf32> to vector<1x16xf32>
        tpu.vector_store %arg8[%parallel_loop3A_335, %parallel_loop3A_336], %parallel_loop3A_339 {strides = array<i32>} : memref<200x128xf32, #tpu.memory_space<vmem>>, vector<1x16xf32>,
      } {sc.loop_unroll_factor = 2 : i64, sc.parallel_access}
      %add3A_184 = arith.constant 2 : i32
      %add3A_185 = arith.addi %add3A_174, %add3A_184 : i32
      %lt3A_186 = arith.constant 128 : i32
      %lt3A_187 = arith.cmpi slt, %add3A_185, %lt3A_186 : i32
      %convert_element_type3A_188 = arith.extui %lt3A_187 : i1 to i32
      %cond3A_189 = arith.constant 0 : i32
      %cond3A_190 = arith.cmpi ne, %convert_element_type3A_188, %cond3A_189 : i32
      scf.if %cond3A_190 {
        %dma_wait3A_227 = arith.constant 0 : i32
        %dma_wait3A_228 = arith.constant 0 : i32
        %dma_wait3A_229 = arith.constant 0 : i32
        %dma_wait3A_230 = tpu.memref_slice %arg5[%dma_wait3A_227, %dma_wait3A_228, %dma_wait3A_229] : memref<4096x200x128xf32, #tpu.memory_space<hbm>> -> memref<1x200x128xf32, #tpu.memory_space<hbm>>
        %dma_wait3A_231 = tpu.memref_squeeze %dma_wait3A_230 : memref<1x200x128xf32, #tpu.memory_space<hbm>> -> memref<200x128xf32, #tpu.memory_space<hbm>>
        %dma_wait3A_232 = arith.constant 0 : i32
        %dma_wait3A_233 = arith.constant 0 : i32
        %dma_wait3A_234 = tpu.memref_slice %arg5[%dma_wait3A_227, %dma_wait3A_232, %dma_wait3A_233] : memref<4096x200x128xf32, #tpu.memory_space<hbm>> -> memref<1x200x128xf32, #tpu.memory_space<hbm>>
        %dma_wait3A_235 = tpu.memref_squeeze %dma_wait3A_234 : memref<1x200x128xf32, #tpu.memory_space<hbm>> -> memref<200x128xf32, #tpu.memory_space<hbm>>
        tpu.wait_dma2 semaphore(%arg16 : memref<!tpu.dma_semaphore, #tpu.memory_space<semaphore_mem>>) src(%arg10 : memref<200x128xf32, #tpu.memory_space<vmem>>) dst(%dma_wait3A_235 : memref<200x128xf32, #tpu.memory_space<hbm>>)
        %add3A_236 = arith.constant 2 : i32
        %add3A_237 = arith.addi %add3A_174, %add3A_236 : i32
        %mul3A_238 = arith.constant 200 : i32
        %mul3A_239 = arith.muli %add3A_237, %mul3A_238 : i32
        %dma_start3A_240 = arith.constant 0 : i32
        %dma_start3A_241 = arith.constant 0 : i32
        %dma_start3A_242 = tpu.memref_slice %arg10[%dma_start3A_240, %dma_start3A_241] : memref<200x128xf32, #tpu.memory_space<vmem>> -> memref<104x128xf32, #tpu.memory_space<vmem>>
        %dma_start3A_243 = tpu.memref_slice %arg6[%mul3A_239] : memref<25600xi32, #tpu.memory_space<vmem>> -> memref<104xi32, #tpu.memory_space<vmem>>
        %dma_start3A_244 = arith.constant 0 : i32
        %dma_start3A_245 = arith.constant 0 : i32
        %dma_start3A_246 = tpu.memref_slice %arg3[%dma_start3A_244, %dma_start3A_245] : memref<100000x128xf32, #tpu.memory_space<hbm>> -> memref<100000x128xf32, #tpu.memory_space<hbm>>
        tpu.enqueue_indirect_dma source(%dma_start3A_246 : memref<100000x128xf32, #tpu.memory_space<hbm>>) target(%dma_start3A_242 : memref<104x128xf32, #tpu.memory_space<vmem>>) offsets(%dma_start3A_243 : memref<104xi32, #tpu.memory_space<vmem>>) semaphore(%arg13 : memref<!tpu.dma_semaphore, #tpu.memory_space<semaphore_mem>>)
        %add3A_247 = arith.constant 104 : i32
        %add3A_248 = arith.addi %mul3A_239, %add3A_247 : i32
        %dma_start3A_249 = arith.constant 104 : i32
        %dma_start3A_250 = arith.constant 0 : i32
        %dma_start3A_251 = tpu.memref_slice %arg10[%dma_start3A_249, %dma_start3A_250] : memref<200x128xf32, #tpu.memory_space<vmem>> -> memref<96x128xf32, #tpu.memory_space<vmem>>
        %dma_start3A_252 = tpu.memref_slice %arg6[%add3A_248] : memref<25600xi32, #tpu.memory_space<vmem>> -> memref<96xi32, #tpu.memory_space<vmem>>
        %dma_start3A_253 = arith.constant 0 : i32
        %dma_start3A_254 = arith.constant 0 : i32
        %dma_start3A_255 = tpu.memref_slice %arg3[%dma_start3A_253, %dma_start3A_254] : memref<100000x128xf32, #tpu.memory_space<hbm>> -> memref<100000x128xf32, #tpu.memory_space<hbm>>
        tpu.enqueue_indirect_dma source(%dma_start3A_255 : memref<100000x128xf32, #tpu.memory_space<hbm>>) target(%dma_start3A_251 : memref<96x128xf32, #tpu.memory_space<vmem>>) offsets(%dma_start3A_252 : memref<96xi32, #tpu.memory_space<vmem>>) semaphore(%arg13 : memref<!tpu.dma_semaphore, #tpu.memory_space<semaphore_mem>>)
      } else {
      }
      %add3A_191 = arith.addi %mul3A_2, %add3A_174 : i32
      %dma_start3A_192 = arith.constant 0 : i32
      %dma_start3A_193 = arith.constant 0 : i32
      %dma_start3A_194 = tpu.memref_slice %arg5[%add3A_191, %dma_start3A_192, %dma_start3A_193] : memref<4096x200x128xf32, #tpu.memory_space<hbm>> -> memref<1x200x128xf32, #tpu.memory_space<hbm>>
      %dma_start3A_195 = tpu.memref_squeeze %dma_start3A_194 : memref<1x200x128xf32, #tpu.memory_space<hbm>> -> memref<200x128xf32, #tpu.memory_space<hbm>>
      %dma_start3A_196 = arith.constant 0 : i32
      %dma_start3A_197 = arith.constant 0 : i32
      %dma_start3A_198 = tpu.memref_slice %arg5[%add3A_191, %dma_start3A_196, %dma_start3A_197] : memref<4096x200x128xf32, #tpu.memory_space<hbm>> -> memref<1x200x128xf32, #tpu.memory_space<hbm>>
      %dma_start3A_199 = tpu.memref_squeeze %dma_start3A_198 : memref<1x200x128xf32, #tpu.memory_space<hbm>> -> memref<200x128xf32, #tpu.memory_space<hbm>>
      tpu.enqueue_dma source(%arg8 : memref<200x128xf32, #tpu.memory_space<vmem>>) target(%dma_start3A_199 : memref<200x128xf32, #tpu.memory_space<hbm>>) target_semaphore(%arg14 : memref<!tpu.dma_semaphore, #tpu.memory_space<semaphore_mem>>)
      %add3A_200 = arith.constant 2 : i32
      %add3A_201 = arith.addi %add3A_148, %add3A_200 : i32
      %dma_wait3A_202 = arith.constant 0 : i32
      %dma_wait3A_203 = arith.constant 0 : i32
      %dma_wait3A_204 = tpu.memref_slice %arg3[%dma_wait3A_202, %dma_wait3A_203] : memref<100000x128xf32, #tpu.memory_space<hbm>> -> memref<200x128xf32, #tpu.memory_space<hbm>>
      %dma_wait3A_205 = arith.constant 0 : i32
      %dma_wait3A_206 = arith.constant 0 : i32
      %dma_wait3A_207 = tpu.memref_slice %arg3[%dma_wait3A_205, %dma_wait3A_206] : memref<100000x128xf32, #tpu.memory_space<hbm>> -> memref<200x128xf32, #tpu.memory_space<hbm>>
      tpu.wait_dma2 semaphore(%arg12 : memref<!tpu.dma_semaphore, #tpu.memory_space<semaphore_mem>>) src(%dma_wait3A_207 : memref<200x128xf32, #tpu.memory_space<hbm>>) dst(%arg9 : memref<200x128xf32, #tpu.memory_space<vmem>>)
      %parallel_loop3A_208 = arith.constant 0 : i32
      %parallel_loop3A_209 = arith.constant 200 : i32
      %parallel_loop3A_210 = arith.constant 1 : i32
      scf.for %parallel_loop3A_227 = %parallel_loop3A_208 to %parallel_loop3A_209 step %parallel_loop3A_210  : i32 {
        %parallel_loop3A_228 = arith.index_cast %parallel_loop3A_227 : i32 to index
        %parallel_loop3A_229 = arith.constant 0 : index
        %parallel_loop3A_230 = tpu.vector_load %arg9[%parallel_loop3A_228, %parallel_loop3A_229] {strides = array<i32>} : memref<200x128xf32, #tpu.memory_space<vmem>>, vector<1x16xf32>,
        %parallel_loop3A_231 = vector.shape_cast %parallel_loop3A_230 : vector<1x16xf32> to vector<16xf32>
        %parallel_loop3A_232 = arith.index_cast %parallel_loop3A_227 : i32 to index
        %parallel_loop3A_233 = arith.constant 0 : index
        %parallel_loop3A_234 = tpu.vector_load %arg7[%parallel_loop3A_232, %parallel_loop3A_233] {strides = array<i32>} : memref<200x128xf32, #tpu.memory_space<vmem>>, vector<1x16xf32>,
        %parallel_loop3A_235 = vector.shape_cast %parallel_loop3A_234 : vector<1x16xf32> to vector<16xf32>
        %parallel_loop3A_236 = arith.addf %parallel_loop3A_231, %parallel_loop3A_235 : vector<16xf32>
        %parallel_loop3A_237 = arith.index_cast %parallel_loop3A_227 : i32 to index
        %parallel_loop3A_238 = arith.constant 0 : index
        %parallel_loop3A_239 = tpu.vector_load %arg9[%parallel_loop3A_237, %parallel_loop3A_238] {strides = array<i32>} : memref<200x128xf32, #tpu.memory_space<vmem>>, vector<1x16xf32>,
        %parallel_loop3A_240 = vector.shape_cast %parallel_loop3A_239 : vector<1x16xf32> to vector<16xf32>
        %parallel_loop3A_241 = vector.shape_cast %parallel_loop3A_236 : vector<16xf32> to vector<1x16xf32>
        tpu.vector_store %arg9[%parallel_loop3A_237, %parallel_loop3A_238], %parallel_loop3A_241 {strides = array<i32>} : memref<200x128xf32, #tpu.memory_space<vmem>>, vector<1x16xf32>,
        %parallel_loop3A_242 = arith.index_cast %parallel_loop3A_227 : i32 to index
        %parallel_loop3A_243 = arith.constant 16 : index
        %parallel_loop3A_244 = tpu.vector_load %arg9[%parallel_loop3A_242, %parallel_loop3A_243] {strides = array<i32>} : memref<200x128xf32, #tpu.memory_space<vmem>>, vector<1x16xf32>,
        %parallel_loop3A_245 = vector.shape_cast %parallel_loop3A_244 : vector<1x16xf32> to vector<16xf32>
        %parallel_loop3A_246 = arith.index_cast %parallel_loop3A_227 : i32 to index
        %parallel_loop3A_247 = arith.constant 16 : index
        %parallel_loop3A_248 = tpu.vector_load %arg7[%parallel_loop3A_246, %parallel_loop3A_247] {strides = array<i32>} : memref<200x128xf32, #tpu.memory_space<vmem>>, vector<1x16xf32>,
        %parallel_loop3A_249 = vector.shape_cast %parallel_loop3A_248 : vector<1x16xf32> to vector<16xf32>
        %parallel_loop3A_250 = arith.addf %parallel_loop3A_245, %parallel_loop3A_249 : vector<16xf32>
        %parallel_loop3A_251 = arith.index_cast %parallel_loop3A_227 : i32 to index
        %parallel_loop3A_252 = arith.constant 16 : index
        %parallel_loop3A_253 = tpu.vector_load %arg9[%parallel_loop3A_251, %parallel_loop3A_252] {strides = array<i32>} : memref<200x128xf32, #tpu.memory_space<vmem>>, vector<1x16xf32>,
        %parallel_loop3A_254 = vector.shape_cast %parallel_loop3A_253 : vector<1x16xf32> to vector<16xf32>
        %parallel_loop3A_255 = vector.shape_cast %parallel_loop3A_250 : vector<16xf32> to vector<1x16xf32>
        tpu.vector_store %arg9[%parallel_loop3A_251, %parallel_loop3A_252], %parallel_loop3A_255 {strides = array<i32>} : memref<200x128xf32, #tpu.memory_space<vmem>>, vector<1x16xf32>,
        %parallel_loop3A_256 = arith.index_cast %parallel_loop3A_227 : i32 to index
        %parallel_loop3A_257 = arith.constant 32 : index
        %parallel_loop3A_258 = tpu.vector_load %arg9[%parallel_loop3A_256, %parallel_loop3A_257] {strides = array<i32>} : memref<200x128xf32, #tpu.memory_space<vmem>>, vector<1x16xf32>,
        %parallel_loop3A_259 = vector.shape_cast %parallel_loop3A_258 : vector<1x16xf32> to vector<16xf32>
        %parallel_loop3A_260 = arith.index_cast %parallel_loop3A_227 : i32 to index
        %parallel_loop3A_261 = arith.constant 32 : index
        %parallel_loop3A_262 = tpu.vector_load %arg7[%parallel_loop3A_260, %parallel_loop3A_261] {strides = array<i32>} : memref<200x128xf32, #tpu.memory_space<vmem>>, vector<1x16xf32>,
        %parallel_loop3A_263 = vector.shape_cast %parallel_loop3A_262 : vector<1x16xf32> to vector<16xf32>
        %parallel_loop3A_264 = arith.addf %parallel_loop3A_259, %parallel_loop3A_263 : vector<16xf32>
        %parallel_loop3A_265 = arith.index_cast %parallel_loop3A_227 : i32 to index
        %parallel_loop3A_266 = arith.constant 32 : index
        %parallel_loop3A_267 = tpu.vector_load %arg9[%parallel_loop3A_265, %parallel_loop3A_266] {strides = array<i32>} : memref<200x128xf32, #tpu.memory_space<vmem>>, vector<1x16xf32>,
        %parallel_loop3A_268 = vector.shape_cast %parallel_loop3A_267 : vector<1x16xf32> to vector<16xf32>
        %parallel_loop3A_269 = vector.shape_cast %parallel_loop3A_264 : vector<16xf32> to vector<1x16xf32>
        tpu.vector_store %arg9[%parallel_loop3A_265, %parallel_loop3A_266], %parallel_loop3A_269 {strides = array<i32>} : memref<200x128xf32, #tpu.memory_space<vmem>>, vector<1x16xf32>,
        %parallel_loop3A_270 = arith.index_cast %parallel_loop3A_227 : i32 to index
        %parallel_loop3A_271 = arith.constant 48 : index
        %parallel_loop3A_272 = tpu.vector_load %arg9[%parallel_loop3A_270, %parallel_loop3A_271] {strides = array<i32>} : memref<200x128xf32, #tpu.memory_space<vmem>>, vector<1x16xf32>,
        %parallel_loop3A_273 = vector.shape_cast %parallel_loop3A_272 : vector<1x16xf32> to vector<16xf32>
        %parallel_loop3A_274 = arith.index_cast %parallel_loop3A_227 : i32 to index
        %parallel_loop3A_275 = arith.constant 48 : index
        %parallel_loop3A_276 = tpu.vector_load %arg7[%parallel_loop3A_274, %parallel_loop3A_275] {strides = array<i32>} : memref<200x128xf32, #tpu.memory_space<vmem>>, vector<1x16xf32>,
        %parallel_loop3A_277 = vector.shape_cast %parallel_loop3A_276 : vector<1x16xf32> to vector<16xf32>
        %parallel_loop3A_278 = arith.addf %parallel_loop3A_273, %parallel_loop3A_277 : vector<16xf32>
        %parallel_loop3A_279 = arith.index_cast %parallel_loop3A_227 : i32 to index
        %parallel_loop3A_280 = arith.constant 48 : index
        %parallel_loop3A_281 = tpu.vector_load %arg9[%parallel_loop3A_279, %parallel_loop3A_280] {strides = array<i32>} : memref<200x128xf32, #tpu.memory_space<vmem>>, vector<1x16xf32>,
        %parallel_loop3A_282 = vector.shape_cast %parallel_loop3A_281 : vector<1x16xf32> to vector<16xf32>
        %parallel_loop3A_283 = vector.shape_cast %parallel_loop3A_278 : vector<16xf32> to vector<1x16xf32>
        tpu.vector_store %arg9[%parallel_loop3A_279, %parallel_loop3A_280], %parallel_loop3A_283 {strides = array<i32>} : memref<200x128xf32, #tpu.memory_space<vmem>>, vector<1x16xf32>,
        %parallel_loop3A_284 = arith.index_cast %parallel_loop3A_227 : i32 to index
        %parallel_loop3A_285 = arith.constant 64 : index
        %parallel_loop3A_286 = tpu.vector_load %arg9[%parallel_loop3A_284, %parallel_loop3A_285] {strides = array<i32>} : memref<200x128xf32, #tpu.memory_space<vmem>>, vector<1x16xf32>,
        %parallel_loop3A_287 = vector.shape_cast %parallel_loop3A_286 : vector<1x16xf32> to vector<16xf32>
        %parallel_loop3A_288 = arith.index_cast %parallel_loop3A_227 : i32 to index
        %parallel_loop3A_289 = arith.constant 64 : index
        %parallel_loop3A_290 = tpu.vector_load %arg7[%parallel_loop3A_288, %parallel_loop3A_289] {strides = array<i32>} : memref<200x128xf32, #tpu.memory_space<vmem>>, vector<1x16xf32>,
        %parallel_loop3A_291 = vector.shape_cast %parallel_loop3A_290 : vector<1x16xf32> to vector<16xf32>
        %parallel_loop3A_292 = arith.addf %parallel_loop3A_287, %parallel_loop3A_291 : vector<16xf32>
        %parallel_loop3A_293 = arith.index_cast %parallel_loop3A_227 : i32 to index
        %parallel_loop3A_294 = arith.constant 64 : index
        %parallel_loop3A_295 = tpu.vector_load %arg9[%parallel_loop3A_293, %parallel_loop3A_294] {strides = array<i32>} : memref<200x128xf32, #tpu.memory_space<vmem>>, vector<1x16xf32>,
        %parallel_loop3A_296 = vector.shape_cast %parallel_loop3A_295 : vector<1x16xf32> to vector<16xf32>
        %parallel_loop3A_297 = vector.shape_cast %parallel_loop3A_292 : vector<16xf32> to vector<1x16xf32>
        tpu.vector_store %arg9[%parallel_loop3A_293, %parallel_loop3A_294], %parallel_loop3A_297 {strides = array<i32>} : memref<200x128xf32, #tpu.memory_space<vmem>>, vector<1x16xf32>,
        %parallel_loop3A_298 = arith.index_cast %parallel_loop3A_227 : i32 to index
        %parallel_loop3A_299 = arith.constant 80 : index
        %parallel_loop3A_300 = tpu.vector_load %arg9[%parallel_loop3A_298, %parallel_loop3A_299] {strides = array<i32>} : memref<200x128xf32, #tpu.memory_space<vmem>>, vector<1x16xf32>,
        %parallel_loop3A_301 = vector.shape_cast %parallel_loop3A_300 : vector<1x16xf32> to vector<16xf32>
        %parallel_loop3A_302 = arith.index_cast %parallel_loop3A_227 : i32 to index
        %parallel_loop3A_303 = arith.constant 80 : index
        %parallel_loop3A_304 = tpu.vector_load %arg7[%parallel_loop3A_302, %parallel_loop3A_303] {strides = array<i32>} : memref<200x128xf32, #tpu.memory_space<vmem>>, vector<1x16xf32>,
        %parallel_loop3A_305 = vector.shape_cast %parallel_loop3A_304 : vector<1x16xf32> to vector<16xf32>
        %parallel_loop3A_306 = arith.addf %parallel_loop3A_301, %parallel_loop3A_305 : vector<16xf32>
        %parallel_loop3A_307 = arith.index_cast %parallel_loop3A_227 : i32 to index
        %parallel_loop3A_308 = arith.constant 80 : index
        %parallel_loop3A_309 = tpu.vector_load %arg9[%parallel_loop3A_307, %parallel_loop3A_308] {strides = array<i32>} : memref<200x128xf32, #tpu.memory_space<vmem>>, vector<1x16xf32>,
        %parallel_loop3A_310 = vector.shape_cast %parallel_loop3A_309 : vector<1x16xf32> to vector<16xf32>
        %parallel_loop3A_311 = vector.shape_cast %parallel_loop3A_306 : vector<16xf32> to vector<1x16xf32>
        tpu.vector_store %arg9[%parallel_loop3A_307, %parallel_loop3A_308], %parallel_loop3A_311 {strides = array<i32>} : memref<200x128xf32, #tpu.memory_space<vmem>>, vector<1x16xf32>,
        %parallel_loop3A_312 = arith.index_cast %parallel_loop3A_227 : i32 to index
        %parallel_loop3A_313 = arith.constant 96 : index
        %parallel_loop3A_314 = tpu.vector_load %arg9[%parallel_loop3A_312, %parallel_loop3A_313] {strides = array<i32>} : memref<200x128xf32, #tpu.memory_space<vmem>>, vector<1x16xf32>,
        %parallel_loop3A_315 = vector.shape_cast %parallel_loop3A_314 : vector<1x16xf32> to vector<16xf32>
        %parallel_loop3A_316 = arith.index_cast %parallel_loop3A_227 : i32 to index
        %parallel_loop3A_317 = arith.constant 96 : index
        %parallel_loop3A_318 = tpu.vector_load %arg7[%parallel_loop3A_316, %parallel_loop3A_317] {strides = array<i32>} : memref<200x128xf32, #tpu.memory_space<vmem>>, vector<1x16xf32>,
        %parallel_loop3A_319 = vector.shape_cast %parallel_loop3A_318 : vector<1x16xf32> to vector<16xf32>
        %parallel_loop3A_320 = arith.addf %parallel_loop3A_315, %parallel_loop3A_319 : vector<16xf32>
        %parallel_loop3A_321 = arith.index_cast %parallel_loop3A_227 : i32 to index
        %parallel_loop3A_322 = arith.constant 96 : index
        %parallel_loop3A_323 = tpu.vector_load %arg9[%parallel_loop3A_321, %parallel_loop3A_322] {strides = array<i32>} : memref<200x128xf32, #tpu.memory_space<vmem>>, vector<1x16xf32>,
        %parallel_loop3A_324 = vector.shape_cast %parallel_loop3A_323 : vector<1x16xf32> to vector<16xf32>
        %parallel_loop3A_325 = vector.shape_cast %parallel_loop3A_320 : vector<16xf32> to vector<1x16xf32>
        tpu.vector_store %arg9[%parallel_loop3A_321, %parallel_loop3A_322], %parallel_loop3A_325 {strides = array<i32>} : memref<200x128xf32, #tpu.memory_space<vmem>>, vector<1x16xf32>,
        %parallel_loop3A_326 = arith.index_cast %parallel_loop3A_227 : i32 to index
        %parallel_loop3A_327 = arith.constant 112 : index
        %parallel_loop3A_328 = tpu.vector_load %arg9[%parallel_loop3A_326, %parallel_loop3A_327] {strides = array<i32>} : memref<200x128xf32, #tpu.memory_space<vmem>>, vector<1x16xf32>,
        %parallel_loop3A_329 = vector.shape_cast %parallel_loop3A_328 : vector<1x16xf32> to vector<16xf32>
        %parallel_loop3A_330 = arith.index_cast %parallel_loop3A_227 : i32 to index
        %parallel_loop3A_331 = arith.constant 112 : index
        %parallel_loop3A_332 = tpu.vector_load %arg7[%parallel_loop3A_330, %parallel_loop3A_331] {strides = array<i32>} : memref<200x128xf32, #tpu.memory_space<vmem>>, vector<1x16xf32>,
        %parallel_loop3A_333 = vector.shape_cast %parallel_loop3A_332 : vector<1x16xf32> to vector<16xf32>
        %parallel_loop3A_334 = arith.addf %parallel_loop3A_329, %parallel_loop3A_333 : vector<16xf32>
        %parallel_loop3A_335 = arith.index_cast %parallel_loop3A_227 : i32 to index
        %parallel_loop3A_336 = arith.constant 112 : index
        %parallel_loop3A_337 = tpu.vector_load %arg9[%parallel_loop3A_335, %parallel_loop3A_336] {strides = array<i32>} : memref<200x128xf32, #tpu.memory_space<vmem>>, vector<1x16xf32>,
        %parallel_loop3A_338 = vector.shape_cast %parallel_loop3A_337 : vector<1x16xf32> to vector<16xf32>
        %parallel_loop3A_339 = vector.shape_cast %parallel_loop3A_334 : vector<16xf32> to vector<1x16xf32>
        tpu.vector_store %arg9[%parallel_loop3A_335, %parallel_loop3A_336], %parallel_loop3A_339 {strides = array<i32>} : memref<200x128xf32, #tpu.memory_space<vmem>>, vector<1x16xf32>,
      } {sc.loop_unroll_factor = 2 : i64, sc.parallel_access}
      %add3A_211 = arith.constant 2 : i32
      %add3A_212 = arith.addi %add3A_201, %add3A_211 : i32
      %lt3A_213 = arith.constant 128 : i32
      %lt3A_214 = arith.cmpi slt, %add3A_212, %lt3A_213 : i32
      %convert_element_type3A_215 = arith.extui %lt3A_214 : i1 to i32
      %cond3A_216 = arith.constant 0 : i32
      %cond3A_217 = arith.cmpi ne, %convert_element_type3A_215, %cond3A_216 : i32
      scf.if %cond3A_217 {
        %dma_wait3A_227 = arith.constant 0 : i32
        %dma_wait3A_228 = arith.constant 0 : i32
        %dma_wait3A_229 = arith.constant 0 : i32
        %dma_wait3A_230 = tpu.memref_slice %arg5[%dma_wait3A_227, %dma_wait3A_228, %dma_wait3A_229] : memref<4096x200x128xf32, #tpu.memory_space<hbm>> -> memref<1x200x128xf32, #tpu.memory_space<hbm>>
        %dma_wait3A_231 = tpu.memref_squeeze %dma_wait3A_230 : memref<1x200x128xf32, #tpu.memory_space<hbm>> -> memref<200x128xf32, #tpu.memory_space<hbm>>
        %dma_wait3A_232 = arith.constant 0 : i32
        %dma_wait3A_233 = arith.constant 0 : i32
        %dma_wait3A_234 = tpu.memref_slice %arg5[%dma_wait3A_227, %dma_wait3A_232, %dma_wait3A_233] : memref<4096x200x128xf32, #tpu.memory_space<hbm>> -> memref<1x200x128xf32, #tpu.memory_space<hbm>>
        %dma_wait3A_235 = tpu.memref_squeeze %dma_wait3A_234 : memref<1x200x128xf32, #tpu.memory_space<hbm>> -> memref<200x128xf32, #tpu.memory_space<hbm>>
        tpu.wait_dma2 semaphore(%arg14 : memref<!tpu.dma_semaphore, #tpu.memory_space<semaphore_mem>>) src(%arg8 : memref<200x128xf32, #tpu.memory_space<vmem>>) dst(%dma_wait3A_235 : memref<200x128xf32, #tpu.memory_space<hbm>>)
        %add3A_236 = arith.constant 2 : i32
        %add3A_237 = arith.addi %add3A_201, %add3A_236 : i32
        %mul3A_238 = arith.constant 200 : i32
        %mul3A_239 = arith.muli %add3A_237, %mul3A_238 : i32
        %dma_start3A_240 = arith.constant 0 : i32
        %dma_start3A_241 = arith.constant 0 : i32
        %dma_start3A_242 = tpu.memref_slice %arg8[%dma_start3A_240, %dma_start3A_241] : memref<200x128xf32, #tpu.memory_space<vmem>> -> memref<104x128xf32, #tpu.memory_space<vmem>>
        %dma_start3A_243 = tpu.memref_slice %arg6[%mul3A_239] : memref<25600xi32, #tpu.memory_space<vmem>> -> memref<104xi32, #tpu.memory_space<vmem>>
        %dma_start3A_244 = arith.constant 0 : i32
        %dma_start3A_245 = arith.constant 0 : i32
        %dma_start3A_246 = tpu.memref_slice %arg3[%dma_start3A_244, %dma_start3A_245] : memref<100000x128xf32, #tpu.memory_space<hbm>> -> memref<100000x128xf32, #tpu.memory_space<hbm>>
        tpu.enqueue_indirect_dma source(%dma_start3A_246 : memref<100000x128xf32, #tpu.memory_space<hbm>>) target(%dma_start3A_242 : memref<104x128xf32, #tpu.memory_space<vmem>>) offsets(%dma_start3A_243 : memref<104xi32, #tpu.memory_space<vmem>>) semaphore(%arg11 : memref<!tpu.dma_semaphore, #tpu.memory_space<semaphore_mem>>)
        %add3A_247 = arith.constant 104 : i32
        %add3A_248 = arith.addi %mul3A_239, %add3A_247 : i32
        %dma_start3A_249 = arith.constant 104 : i32
        %dma_start3A_250 = arith.constant 0 : i32
        %dma_start3A_251 = tpu.memref_slice %arg8[%dma_start3A_249, %dma_start3A_250] : memref<200x128xf32, #tpu.memory_space<vmem>> -> memref<96x128xf32, #tpu.memory_space<vmem>>
        %dma_start3A_252 = tpu.memref_slice %arg6[%add3A_248] : memref<25600xi32, #tpu.memory_space<vmem>> -> memref<96xi32, #tpu.memory_space<vmem>>
        %dma_start3A_253 = arith.constant 0 : i32
        %dma_start3A_254 = arith.constant 0 : i32
        %dma_start3A_255 = tpu.memref_slice %arg3[%dma_start3A_253, %dma_start3A_254] : memref<100000x128xf32, #tpu.memory_space<hbm>> -> memref<100000x128xf32, #tpu.memory_space<hbm>>
        tpu.enqueue_indirect_dma source(%dma_start3A_255 : memref<100000x128xf32, #tpu.memory_space<hbm>>) target(%dma_start3A_251 : memref<96x128xf32, #tpu.memory_space<vmem>>) offsets(%dma_start3A_252 : memref<96xi32, #tpu.memory_space<vmem>>) semaphore(%arg11 : memref<!tpu.dma_semaphore, #tpu.memory_space<semaphore_mem>>)
      } else {
      }
      %add3A_218 = arith.addi %mul3A_2, %add3A_201 : i32
      %dma_start3A_219 = arith.constant 0 : i32
      %dma_start3A_220 = arith.constant 0 : i32
      %dma_start3A_221 = tpu.memref_slice %arg5[%add3A_218, %dma_start3A_219, %dma_start3A_220] : memref<4096x200x128xf32, #tpu.memory_space<hbm>> -> memref<1x200x128xf32, #tpu.memory_space<hbm>>
      %dma_start3A_222 = tpu.memref_squeeze %dma_start3A_221 : memref<1x200x128xf32, #tpu.memory_space<hbm>> -> memref<200x128xf32, #tpu.memory_space<hbm>>
      %dma_start3A_223 = arith.constant 0 : i32
      %dma_start3A_224 = arith.constant 0 : i32
      %dma_start3A_225 = tpu.memref_slice %arg5[%add3A_218, %dma_start3A_223, %dma_start3A_224] : memref<4096x200x128xf32, #tpu.memory_space<hbm>> -> memref<1x200x128xf32, #tpu.memory_space<hbm>>
      %dma_start3A_226 = tpu.memref_squeeze %dma_start3A_225 : memref<1x200x128xf32, #tpu.memory_space<hbm>> -> memref<200x128xf32, #tpu.memory_space<hbm>>
      tpu.enqueue_dma source(%arg9 : memref<200x128xf32, #tpu.memory_space<vmem>>) target(%dma_start3A_226 : memref<200x128xf32, #tpu.memory_space<hbm>>) target_semaphore(%arg15 : memref<!tpu.dma_semaphore, #tpu.memory_space<semaphore_mem>>)
    }
    %scan3A_116 = arith.constant 42 : i32
    %dma_wait3A_117 = arith.constant 0 : i32
    %dma_wait3A_118 = arith.constant 0 : i32
    %dma_wait3A_119 = arith.constant 0 : i32
    %dma_wait3A_120 = tpu.memref_slice %arg5[%dma_wait3A_117, %dma_wait3A_118, %dma_wait3A_119] : memref<4096x200x128xf32, #tpu.memory_space<hbm>> -> memref<1x200x128xf32, #tpu.memory_space<hbm>>
    %dma_wait3A_121 = tpu.memref_squeeze %dma_wait3A_120 : memref<1x200x128xf32, #tpu.memory_space<hbm>> -> memref<200x128xf32, #tpu.memory_space<hbm>>
    %dma_wait3A_122 = arith.constant 0 : i32
    %dma_wait3A_123 = arith.constant 0 : i32
    %dma_wait3A_124 = tpu.memref_slice %arg5[%dma_wait3A_117, %dma_wait3A_122, %dma_wait3A_123] : memref<4096x200x128xf32, #tpu.memory_space<hbm>> -> memref<1x200x128xf32, #tpu.memory_space<hbm>>
    %dma_wait3A_125 = tpu.memref_squeeze %dma_wait3A_124 : memref<1x200x128xf32, #tpu.memory_space<hbm>> -> memref<200x128xf32, #tpu.memory_space<hbm>>
    tpu.wait_dma2 semaphore(%arg14 : memref<!tpu.dma_semaphore, #tpu.memory_space<semaphore_mem>>) src(%arg8 : memref<200x128xf32, #tpu.memory_space<vmem>>) dst(%dma_wait3A_125 : memref<200x128xf32, #tpu.memory_space<hbm>>)
    %dma_wait3A_126 = arith.constant 0 : i32
    %dma_wait3A_127 = arith.constant 0 : i32
    %dma_wait3A_128 = arith.constant 0 : i32
    %dma_wait3A_129 = tpu.memref_slice %arg5[%dma_wait3A_126, %dma_wait3A_127, %dma_wait3A_128] : memref<4096x200x128xf32, #tpu.memory_space<hbm>> -> memref<1x200x128xf32, #tpu.memory_space<hbm>>
    %dma_wait3A_130 = tpu.memref_squeeze %dma_wait3A_129 : memref<1x200x128xf32, #tpu.memory_space<hbm>> -> memref<200x128xf32, #tpu.memory_space<hbm>>
    %dma_wait3A_131 = arith.constant 0 : i32
    %dma_wait3A_132 = arith.constant 0 : i32
    %dma_wait3A_133 = tpu.memref_slice %arg5[%dma_wait3A_126, %dma_wait3A_131, %dma_wait3A_132] : memref<4096x200x128xf32, #tpu.memory_space<hbm>> -> memref<1x200x128xf32, #tpu.memory_space<hbm>>
    %dma_wait3A_134 = tpu.memref_squeeze %dma_wait3A_133 : memref<1x200x128xf32, #tpu.memory_space<hbm>> -> memref<200x128xf32, #tpu.memory_space<hbm>>
    tpu.wait_dma2 semaphore(%arg15 : memref<!tpu.dma_semaphore, #tpu.memory_space<semaphore_mem>>) src(%arg9 : memref<200x128xf32, #tpu.memory_space<vmem>>) dst(%dma_wait3A_134 : memref<200x128xf32, #tpu.memory_space<hbm>>)
    %dma_wait3A_135 = arith.constant 0 : i32
    %dma_wait3A_136 = arith.constant 0 : i32
    %dma_wait3A_137 = arith.constant 0 : i32
    %dma_wait3A_138 = tpu.memref_slice %arg5[%dma_wait3A_135, %dma_wait3A_136, %dma_wait3A_137] : memref<4096x200x128xf32, #tpu.memory_space<hbm>> -> memref<1x200x128xf32, #tpu.memory_space<hbm>>
    %dma_wait3A_139 = tpu.memref_squeeze %dma_wait3A_138 : memref<1x200x128xf32, #tpu.memory_space<hbm>> -> memref<200x128xf32, #tpu.memory_space<hbm>>
    %dma_wait3A_140 = arith.constant 0 : i32
    %dma_wait3A_141 = arith.constant 0 : i32
    %dma_wait3A_142 = tpu.memref_slice %arg5[%dma_wait3A_135, %dma_wait3A_140, %dma_wait3A_141] : memref<4096x200x128xf32, #tpu.memory_space<hbm>> -> memref<1x200x128xf32, #tpu.memory_space<hbm>>
    %dma_wait3A_143 = tpu.memref_squeeze %dma_wait3A_142 : memref<1x200x128xf32, #tpu.memory_space<hbm>> -> memref<200x128xf32, #tpu.memory_space<hbm>>
    tpu.wait_dma2 semaphore(%arg16 : memref<!tpu.dma_semaphore, #tpu.memory_space<semaphore_mem>>) src(%arg10 : memref<200x128xf32, #tpu.memory_space<vmem>>) dst(%dma_wait3A_143 : memref<200x128xf32, #tpu.memory_space<hbm>>)
    return
  }
}

</mosaic_0001>

<sc_bundles>
// kernel: kernel.3.cloned.1.call-start
scs
__scs_entry_jumppad:
0x0: {  	(pc) =	sbr.rel $0x88, $3  }
0x1: {  	(tag) =	ssettag $0x0;
	lr =	simm.s32 $0x1  }
0x2: {  	[smem:$0x3F9E] =	sst lr;
	_ =	strace $0xD0000000  }
0x3: {  	_ = 	snop  }
0x4: {  	_ = 	snop  }
0x5: {  	_ = 	snop  }
0x6: {  	_ = 	snop  }
0x7: {  	_ = 	snop  }
__scs_overlays_trampoline_lowered:
0x8: {  	[smem:$0x3FAD] =	sst s0  }
0x9: {  	[smem:$0x3FAE] =	sst s1  }
0xa: {  	[smem:$0x3FAF] =	sst s2  }
0xb: {  	[smem:$0x3FB0] =	sst s3  }
0xc: {  	[smem:$0x3FB1] =	sst s4  }
0xd: {  	[smem:$0x3FB2] =	sst s5  }
0xe: {  	[smem:$0x3FB3] =	sst s6  }
0xf: {  	[smem:$0x3FB4] =	sst s7  }
0x10: {  	[smem:$0x3FB5] =	sst s8  }
0x11: {  	[smem:$0x3FB6] =	sst s9;
	s0 =	simm.s32 @!p0 $0x0  }
0x12: {  	s1 =	sld [smem:$0x3F9C];
	s0 =	simm.s32 @p0 $0x1  }
0x13: {  	[smem:$0x3FB7] =	sst s0;
	s0 =	simm.s32 @!p1 $0x0  }
0x14: {  	s2 =	sld [smem:$0x3F9B];
	s0 =	simm.s32 @p1 $0x1  }
0x15: {  	[smem:$0x3FB8] =	sst s0;
	s0 =	simm.s32 @!p2 $0x0  }
0x16: {  	s3 =	sld [smem:$0x3FDB];
	s0 =	simm.s32 @p2 $0x1  }
0x17: {  	s4 =	simm.s32 $0x1BF5;
	[smem:$0x3FBA] =	sst s0  }
0x18: {  	s0 =	sld [smem:$0x3F9D];
	_ =	swait.ge [sflag:s4], $0x0  }
0x19: {  	s7 =	sld [smem:$0x3F9E]  }
0x1a: {  	s8 =	sadd.s32 $0xFFFFE003, lr  }
0x1b: {  	s9 =	sadd.s32 $0xFFFFFEF7, lr;
	s5 =	simm.s32 $0xFFFFFFFF;
	p2 =	slt.u32 s8, $0xFFFFF086  }
0x1c: {  	p1 =	slt.u32 s9, $0xF7A;
	s5 =	simm.s32 @!p2 $0x0  }
0x1d: {  	s5 =	simm.s32 @p1 $0x1;
	p0 =	seq.s32 s7, s2  }
0x1e: {  	s7 =	smul.u32 @!p0 $0xF7A, s2;
	p2 =	seq.s32 @!p0 s5, $0x0  }
0x1f: {  	s9 =	smul.u32 $0xF7A, s1;
	s8 =	simm.s32 @!p0 $0x1BF5;
	p2 =	por !p2, p0  }
0x20: {  	[sflag:s8] =	ssyncset.s32 @!p0 $0xFFFFF086;
	s6 =	sadd.s32 @!p0 s3, s7;
	s7 =	simm.s32 @!p0 $0x108  }
0x21: {  	s3 =	sadd.s32 s3, s9;
	s6 =	sadd.s32 @!p0 $0x88, s6;
	s7 =	simm.s32 @p2 $0x1082  }
0x22: {  	[simem:s7], [sflag:s8] =	dma.local @!p0 [hbm:s6], $0xF7A  }
0x23: {  	s9 =	sor.u32 $0xD0000000, s2;
	s6 =	simm.s32 $0x108;
	_ =	swait.ge @!p0 [sflag:s8], $0x0  }
0x24: {  	s3 =	sadd.s32 $0x88, s3;
	s6 =	simm.s32 @!p1 $0x1082;
	[sflag:s4] =	ssyncset.s32 $0xFFFFF086  }
0x25: {  	[simem:s6], [sflag:s4] =	dma.local [hbm:s3], $0xF7A  }
0x26: {  	[smem:$0x3F9E] =	sst s1;
	(tag) =	ssettag s2;
	_ =	strace s9  }
0x27: {  	s1 =	sld [smem:$0x3FAE]  }
0x28: {  	s2 =	sld [smem:$0x3FAF]  }
0x29: {  	s4 =	sld [smem:$0x3FB1]  }
0x2a: {  	p0 =	seq.s32 s5, $0x0;
	s5 =	sld [smem:$0x3FB2]  }
0x2b: {  	s6 =	sld [smem:$0x3FB3]  }
0x2c: {  	s7 =	sld [smem:$0x3FB4]  }
0x2d: {  	s3 =	simm.s32 $0x108;
	s8 =	sld [smem:$0x3FB5]  }
0x2e: {  	s3 =	simm.s32 @!p0 $0x1082;
	s9 =	sld [smem:$0x3FB6]  }
0x2f: {  	lr =	sadd.s32 s0, s3;
	s0 =	sld [smem:$0x3FAD]  }
0x30: {  	s3 =	sld [smem:$0x3FB0]  }
0x31: {  	[smem:$0x3FB9] =	sst s10  }
0x32: {  	s10 =	sld [smem:$0x3FB7];
	_ =	sdelay $0x3  }
0x33: {  	p0 =	seq.s32 s10, $0x1;
	s10 =	sld [smem:$0x3FB9];
	_ =	sdelay $0x3  }
0x34: {  	[smem:$0x3FB9] =	sst s10  }
0x35: {  	s10 =	sld [smem:$0x3FB8];
	_ =	sdelay $0x3  }
0x36: {  	p1 =	seq.s32 s10, $0x1;
	s10 =	sld [smem:$0x3FB9];
	_ =	sdelay $0x3  }
0x37: {  	[smem:$0x3FB9] =	sst s10  }
0x38: {  	s10 =	sld [smem:$0x3FBA]  }
0x39: {  	_ = 	snop;
	(pc) =	sbr.ind lr, $3  }
0x3a: {  	_ = 	snop  }
0x3b: {  	_ = 	snop  }
0x3c: {  	p2 =	seq.s32 s10, $0x1;
	s10 =	sld [smem:$0x3FB9]  }
0x3d: {  	_ =	shalt  }
0x3e: {  	_ =	shalt  }
0x3f: {  	_ =	shalt  }
0x40: {  	_ =	shalt  }
0x41: {  	_ =	shalt  }
0x42: {  	_ =	shalt  }
0x43: {  	_ =	shalt  }
0x44: {  	_ =	shalt  }
0x45: {  	_ =	shalt  }
0x46: {  	_ =	shalt  }
0x47: {  	_ =	shalt  }
0x48: {  	_ =	shalt  }
0x49: {  	_ =	shalt  }
0x4a: {  	_ =	shalt  }
0x4b: {  	_ =	shalt  }
0x4c: {  	_ =	shalt  }
0x4d: {  	_ =	shalt  }
0x4e: {  	_ =	shalt  }
0x4f: {  	_ =	shalt  }
0x50: {  	_ =	shalt  }
0x51: {  	_ =	shalt  }
0x52: {  	_ =	shalt  }
0x53: {  	_ =	shalt  }
0x54: {  	_ =	shalt  }
0x55: {  	_ =	shalt  }
0x56: {  	_ =	shalt  }
0x57: {  	_ =	shalt  }
0x58: {  	_ =	shalt  }
0x59: {  	_ =	shalt  }
0x5a: {  	_ =	shalt  }
0x5b: {  	_ =	shalt  }
0x5c: {  	_ =	shalt  }
0x5d: {  	_ =	shalt  }
0x5e: {  	_ =	shalt  }
0x5f: {  	_ =	shalt  }
0x60: {  	_ =	shalt  }
0x61: {  	_ =	shalt  }
0x62: {  	_ =	shalt  }
0x63: {  	_ =	shalt  }
0x64: {  	_ =	shalt  }
0x65: {  	_ =	shalt  }
0x66: {  	_ =	shalt  }
0x67: {  	_ =	shalt  }
0x68: {  	_ =	shalt  }
0x69: {  	_ =	shalt  }
0x6a: {  	_ =	shalt  }
0x6b: {  	_ =	shalt  }
0x6c: {  	_ =	shalt  }
0x6d: {  	_ =	shalt  }
0x6e: {  	_ =	shalt  }
0x6f: {  	_ =	shalt  }
0x70: {  	_ =	shalt  }
0x71: {  	_ =	shalt  }
0x72: {  	_ =	shalt  }
0x73: {  	_ =	shalt  }
0x74: {  	_ =	shalt  }
0x75: {  	_ =	shalt  }
0x76: {  	_ =	shalt  }
0x77: {  	_ =	shalt  }
0x78: {  	_ =	shalt  }
0x79: {  	_ =	shalt  }
0x7a: {  	_ =	shalt  }
0x7b: {  	_ =	shalt  }
0x7c: {  	_ =	shalt  }
0x7d: {  	_ =	shalt  }
0x7e: {  	_ =	shalt  }
0x7f: {  	_ =	shalt  }
0x80: {  	_ =	shalt  }
0x81: {  	_ =	shalt  }
0x82: {  	_ =	shalt  }
0x83: {  	_ =	shalt  }
0x84: {  	_ =	shalt  }
0x85: {  	_ =	shalt  }
0x86: {  	_ =	shalt  }
0x87: {  	_ =	shalt  }
.Lfunc_end0:
.L_simem_size_0:
called_computation_lowered:
.L_overlay_start_0:
0x88: {  	s2 =	sld [smem:$0x3FD9]  }
0x89: {  	s3 =	sld [smem:$0x3FFE];
	_ =	sdelay $0x1  }
0x8a: {  	s1 =	srdreg.scid  }
0x8b: {  	s0 =	sand.u32 $0x1, s1  }
0x8c: {  	s17 =	sshll.u32 s0, $0xA;
	s2 =	sadd.s32 s3, s2  }
0x8d: {  	s2 =	sadd.s32 s2, s17  }
0x8e: {  	[smem:$0x3FC5] =	sst s2  }
0x8f: {  	_ = 	snop  }
0x90: {  	s2 =	sld [smem:$0x3FC8]  }
0x91: {  	s18 =	sld [smem:$0x3FC7]  }
0x92: {  	s4 =	sld [smem:$0x3FD0];
	(tm) =	ssettm $0x1  }
0x93: {  	s5 =	sld [smem:$0x3FFB];
	_ =	sdelay $0x3  }
0x94: {  	_ =	strace s5  }
0x95: {  	s5 =	sld [smem:$0x3FFC];
	_ =	sdelay $0x3  }
0x96: {  	_ =	strace s5  }
0x97: {  	s5 =	sld [smem:$0x3FFD];
	_ =	sdelay $0x3  }
0x98: {  	_ =	strace s5  }
0x99: {  	_ =	strace $0x8FFFFFFF  }
0x9a: {  	s19 =	sld [smem:$0x3FDB];
	_ =	sdelay $0x1  }
0x9b: {  	s6 =	simm.s32 $_scs_section_size  }
0x9c: {  	s7 =	simm.s32 $_size__tile_overlayer_lowered;
	s8 =	simm.s32 $_tile_overlayer_lowered  }
0x9d: {  	s22 =	simm.s32 $0x1BFF;
	s21 =	sshll.u32 s8, $0x1;
	s5 =	sadd.s32 s6, s19  }
0x9e: {  	s9 =	simm.s32 $0x0;
	s20 =	sshll.u32 s7, $0x1;
	s7 =	sadd.s32 s21, s5  }
0x9f: {  	[timem:s9], [sflag:s22] =	dma.local [hbm:s7], s20  }
0xa0: {  	_ =	swait.ge [sflag:s22], s20  }
0xa1: {  	s6 =	ssub.s32 $0x0, s20;
	[sflag:s22] =	ssyncset.done $0x0  }
0xa2: {  	[sflag:s22] =	ssyncadd.s32 s6;
	_ =	sdelay $0x1  }
0xa3: {  	s23 =	simm.s32 $0x1B8B  }
0xa4: {  	_ =	swait.ge [sflag:s23], $0x1  }
0xa5: {  	[sflag:s23] =	ssyncset.done $0x0  }
0xa6: {  	s25 =	simm.s32 $0x1B8E;
	s24 =	sld [smem:$0x3FFE];
	[sflag:s23] =	ssyncadd.s32 $0xFFFFFFFF  }
0xa7: {  	s26 =	simm.s32 $execute0_lowered;
	[smem:$0x3FD2] =	sst s25  }
0xa8: {  	s7 =	sshll.u32 s26, $0x1;
	_ =	strace $0x80000046;
	[dreg:$0x1] =	wrdreg $0xFFFFFFFF  }
0xa9: {  	s28 =	simm.s32 $_size_execute0_lowered;
	s5 =	sadd.s32 s5, s7;
	[dreg:$0x0] =	wrdreg $0x0  }
0xaa: {  	s7 =	sshll.u32 s28, $0x1;
	[dreg:$0x2] =	wrdreg s5  }
0xab: {  	[dreg:$0x3] =	wrdreg s7  }
0xac: {  	[dreg:$0x4] =	wrdreg $0xC0  }
0xad: {  	_ =	task [dreg:s9], $0x5FFFF  }
0xae: {  	[dreg:$0x1] =	wrdreg $0xFFFFFFFF  }
0xaf: {  	[dreg:$0x0] =	wrdreg $0x60  }
0xb0: {  	[dreg:$0x2] =	wrdreg s24  }
0xb1: {  	[dreg:$0x3] =	wrdreg s2  }
0xb2: {  	[dreg:$0x4] =	wrdreg s18  }
0xb3: {  	[dreg:$0x5] =	wrdreg s4  }
0xb4: {  	[dreg:$0x6] =	wrdreg $0x9  }
0xb5: {  	_ =	task.clear_ibuf [dreg:s9], $0x7FFFF;
	_ =	strace $0x90000046  }
0xb6: {  	s29 =	simm.s32 $0x9;
	_ =	strace $0x80000048  }
0xb7: {  	_ =	swait.ge [sflag:s29], $0x1  }
0xb8: {  	[sflag:s29] =	ssyncadd.s32 $0xFFFFFFFF  }
0xb9: {  	_ =	strace $0x90000048  }
0xba: {  	_ =	sfence  }
0xbb: {  	s30 =	sld [smem:$0x0];
	_ =	sdelay $0x2  }
0xbc: {  	s31 =	sshll.u32 s1, $0xD;
	s1 =	sshrl.u32 s1, $0x2  }
0xbd: {  	s3 =	sand.u32 $0x4000, s31;
	s1 =	sadd.s32 s1, s30  }
0xbe: {  	s0 =	sor.u32 s3, s0;
	s1 =	sshll.u32 s1, $0x11  }
0xbf: {  	s0 =	sor.u32 s1, s0  }
0xc0: {  	s0 =	sadd.s32 $0x8F2B, s0  }
0xc1: {  	[sflag:s0] =	ssyncadd.remote.s32 $0x1  }
0xc2: {  	_ =	sfence.sel $0xFFFF  }
0xc3: {  	[dreg:$0x0] =	wrdreg $0xFFFFFFFF;
	(pc) =	sbr.abs _section_cstart, $3  }
0xc4: {  	[dreg:$0x1] =	wrdreg $0xFFFFFFFF  }
0xc5: {  	_ =	task.clear_ibuf [dreg:s9], $0x2FFFF;
	_ =	strace $0x9FFFFFFF  }
0xc6: {  	(tm) =	ssettm $0x7FFFFFFF  }
0xc7: {  	_ =	shalt  }
tec
execute0_lowered:
.L_overlay_start_1:
0x0: {  	(tag) =	ssettag $0x1  }
0x1: {  	s0 =	rddreg [dreg:$0x0]  }
0x2: {  	s1 =	rddreg [dreg:$0x1]  }
0x3: {  	s2 =	srdreg.scid;
	s3 =	stileid.u32  }
0x4: {  	s4 =	rddreg [dreg:$0x3];
	s5 =	simm.s32 $0x0;
	s14 =	simm.s32 $0x7  }
0x5: {  	s15 =	simm.s32 $0x68;
	s16 =	simm.s32 $0xC800;
	s17 =	simm.s32 $0x60  }
0x6: {  	s20 =	simm.s32 $0x12C00;
	s22 =	simm.s32 $0x16000;
	s24 =	simm.s32 $0x19000  }
0x7: {  	s28 =	simm.s32 $0x1;
	s2 =	sand.u32 $0x1, s2;
	s3 =	sshll.u32 s3, $0x1  }
0x8: {  	s29 =	simm.s32 $0x2;
	s30 =	simm.s32 $0x4;
	s3 =	sor.u32 s2, s3  }
0x9: {  	s13 =	simm.s32 $0x6;
	s2 =	ssub.s32 $0x2, s2;
	s6 =	smul.u32 $0xC80, s3  }
0xa: {  	[smem:$0x7FF] =	sst s5;
	s7 =	sshrl.u32 s2, $0x1;
	s8 =	smul.u32 $0x64000, s3  }
0xb: {  	s19 =	simm.s32 $0x0;
	_ =	strace $0x80000047;
	s2 =	ssub.s32 s2, s7  }
0xc: {  	s0 =	sadd.s32 s6, s0;
	s6 =	sshll.u32 s3, $0x7;
	s26 =	sadd.s32 s4, s8  }
0xd: {  	s31 =	smax.u32 s2, $0x1;
	s8 =	simm.s32 $0xFC00;
	[dreg:$0x6] =	wrdreg s26  }
0xe: {  	s3 =	simm.s32 $0x5;
	s0 =	sadd.s32 $0x400, s0;
	[dreg:$0x8] =	wrdreg s31  }
0xf: {  	s10 =	sor.u32 $0x2, s6;
	[dreg:$0x5] =	wrdreg s0;
	s0 =	sadd.s32 $0xC80, s26  }
0x10: {  	s11 =	sor.u32 $0x3, s6;
	[dreg:$0x7] =	wrdreg s0;
	s0 =	simm.s32 $0x3  }
.LBB2_1:
0x11: {  	s2 =	rddreg [dreg:$0x2];
	s7 =	simm.s32 $0x6400  }
0x12: {  	[tilespmem:s7], [sflag:$0x7] =	stream.linear.gather [hbm4b:s2+s5], $0x6400, $0x38;
	[tilespmem:$0x1F400] =	vst v63  }
0x13: {  	_ =	swait.ge [sflag:s14], $0x6400  }
0x14: {  	[sflag:s14] =	ssyncset.done $0x0  }
0x15: {  	s12 =	rddreg [dreg:$0x5];
	[sflag:s14] =	ssyncadd.s32 $0xFFFF9C00  }
0x16: {  	[tilespmem:s5], [sflag:$0x7] =	stream.linear.gather [hbm4b:s12+s5], $0x6400, $0x38;
	[tilespmem:$0x1F400] =	vst v63  }
0x17: {  	_ =	swait.ge [sflag:s14], $0x6400  }
0x18: {  	[sflag:s14] =	ssyncset.done $0x0  }
0x19: {  	[sflag:s14] =	ssyncadd.s32 $0xFFFF9C00  }
0x1a: {  	[tilespmem:s16], [sflag:$0x1] =	stream.indirect.gather [hbm4b:s1+s15], $0x80, s5, s15, $0xb8;
	[tilespmem:$0x1F400] =	vst v63  }
0x1b: {  	_ = 	snop  }
0x1c: {  	[tilespmem:s8], [sflag:$0x1] =	stream.indirect.gather [hbm4b:s1+s17], $0x80, s15, s17, $0xb8;
	[tilespmem:$0x1F400] =	vst v63  }
0x1d: {  	s18 =	simm.s32 $0xC8  }
0x1e: {  	[tilespmem:s20], [sflag:$0x2] =	stream.indirect.gather [hbm4b:s1+s15], $0x80, s18, s15, $0xb8;
	[tilespmem:$0x1F400] =	vst v63  }
0x1f: {  	s21 =	simm.s32 $0x130  }
0x20: {  	[tilespmem:s22], [sflag:$0x2] =	stream.indirect.gather [hbm4b:s1+s17], $0x80, s21, s17, $0xb8;
	[tilespmem:$0x1F400] =	vst v63  }
0x21: {  	s23 =	simm.s32 $0x190  }
0x22: {  	[tilespmem:s24], [sflag:$0x3] =	stream.indirect.gather [hbm4b:s1+s15], $0x80, s23, s15, $0xb8;
	[tilespmem:$0x1F400] =	vst v63  }
0x23: {  	s25 =	simm.s32 $0x1F8;
	s26 =	simm.s32 $0x1C400  }
0x24: {  	[tilespmem:s26], [sflag:$0x3] =	stream.indirect.gather [hbm4b:s1+s17], $0x80, s25, s17, $0xb8;
	[tilespmem:$0x1F400] =	vst v63  }
0x25: {  	_ =	swait.ge [sflag:s28], $0x6400  }
0x26: {  	[sflag:s28] =	ssyncset.done $0x0  }
0x27: {  	s21 =	simm.s32 $0xC880;
	[sflag:s28] =	ssyncadd.s32 $0xFFFF9C00  }
0x28: {  	s31 =	simm.s32 $0x6480;
	v0 =	vld [tilespmem:s21+$0x0]  }
0x29: {  	v1 =	vld [tilespmem:s31+$0x0];
	_ =	sdelay $0x3  }
0x2a: {  	v2 =	vld [tilespmem:s21+$0xFFFFFF80]  }
0x2b: {  	v0 =	vadd.f32 v1, v0;
	v1 =	vld [tilespmem:s31+$0xFFFFFF80];
	_ =	sdelay $0x1  }
0x2c: {  	[tilespmem:s21+$0x0] =	vst v0;
	v0 =	vld [tilespmem:s21+$0x10]  }
0x2d: {  	v3 =	vld [tilespmem:s31+$0x10];
	_ =	sdelay $0x1  }
0x2e: {  	v1 =	vadd.f32 v1, v2;
	_ =	sdelay $0x1  }
0x2f: {  	v4 =	vld [tilespmem:s21+$0xFFFFFF90];
	[tilespmem:s21+$0xFFFFFF80] =	vst v1  }
0x30: {  	v0 =	vadd.f32 v3, v0;
	v1 =	vld [tilespmem:s31+$0xFFFFFF90];
	_ =	sdelay $0x1  }
0x31: {  	[tilespmem:s21+$0x10] =	vst v0;
	v0 =	vld [tilespmem:s21+$0x20]  }
0x32: {  	v3 =	vld [tilespmem:s31+$0x20]  }
0x33: {  	v5 =	vld [tilespmem:s21+$0xFFFFFFB0]  }
0x34: {  	s23 =	simm.s32 $0xC980;
	v6 =	vld [tilespmem:s21+$0xFFFFFFD0];
	v1 =	vadd.f32 v1, v4  }
0x35: {  	v7 =	vld [tilespmem:s23+$0x0]  }
0x36: {  	v2 =	vld [tilespmem:s21+$0xFFFFFFA0];
	[tilespmem:s21+$0xFFFFFF90] =	vst v1  }
0x37: {  	v0 =	vadd.f32 v3, v0;
	v1 =	vld [tilespmem:s31+$0xFFFFFFA0]  }
0x38: {  	v8 =	vld [tilespmem:s21+$0xFFFFFFE0]  }
0x39: {  	[tilespmem:s21+$0x20] =	vst v0;
	v0 =	vld [tilespmem:s21+$0x30]  }
0x3a: {  	s25 =	simm.s32 $0x6580;
	v3 =	vld [tilespmem:s31+$0x30]  }
0x3b: {  	v10 =	vld [tilespmem:s25+$0xFFFFFF80]  }
0x3c: {  	v1 =	vadd.f32 v1, v2;
	v2 =	vld [tilespmem:s25+$0x0]  }
0x3d: {  	v12 =	vld [tilespmem:s23+$0xFFFFFF90]  }
0x3e: {  	s18 =	simm.s32 $0x6680;
	v13 =	vld [tilespmem:s23+$0xFFFFFFD0]  }
0x3f: {  	v15 =	vld [tilespmem:s18+$0xFFFFFF80];
	v0 =	vadd.f32 v3, v0  }
0x40: {  	[tilespmem:s21+$0xFFFFFFA0] =	vst v1;
	v1 =	vld [tilespmem:s21+$0x40]  }
0x41: {  	[tilespmem:s21+$0x30] =	vst v0;
	v2 =	vadd.f32 v2, v7;
	v7 =	vld [tilespmem:s23+$0xFFFFFF80]  }
0x42: {  	s2 =	simm.s32 $0xCA80;
	v9 =	vld [tilespmem:s31+$0x40]  }
0x43: {  	v16 =	vld [tilespmem:s2+$0xFFFFFF80]  }
0x44: {  	v3 =	vld [tilespmem:s31+$0xFFFFFFB0]  }
0x45: {  	v17 =	vld [tilespmem:s23+$0x50]  }
0x46: {  	[tilespmem:s23+$0x0] =	vst v2;
	v2 =	vld [tilespmem:s23+$0x10];
	v7 =	vadd.f32 v10, v7  }
0x47: {  	v11 =	vld [tilespmem:s25+$0x10];
	v1 =	vadd.f32 v9, v1  }
0x48: {  	v9 =	vld [tilespmem:s21+$0x50];
	[tilespmem:s23+$0xFFFFFF80] =	vst v7  }
0x49: {  	[tilespmem:s21+$0x40] =	vst v1;
	v1 =	vadd.f32 v3, v5;
	v5 =	vld [tilespmem:s25+$0xFFFFFF90]  }
0x4a: {  	v3 =	vld [tilespmem:s31+$0x50]  }
0x4b: {  	v60 =	vld [tilespmem:s2+$0xFFFFFFA0]  }
0x4c: {  	v4 =	vld [tilespmem:s21+$0xFFFFFFC0];
	v2 =	vadd.f32 v11, v2;
	[tilespmem:s21+$0xFFFFFFB0] =	vst v1  }
0x4d: {  	v1 =	vld [tilespmem:s31+$0xFFFFFFC0]  }
0x4e: {  	[tilespmem:s23+$0x10] =	vst v2;
	v2 =	vld [tilespmem:s23+$0x20]  }
0x4f: {  	v5 =	vadd.f32 v5, v12;
	v3 =	vadd.f32 v3, v9;
	v9 =	vld [tilespmem:s25+$0x20]  }
0x50: {  	v18 =	vld [tilespmem:s23+$0x60];
	v15 =	vadd.f32 v15, v16  }
0x51: {  	v10 =	vld [tilespmem:s23+$0xFFFFFFA0];
	[tilespmem:s23+$0xFFFFFF90] =	vst v5  }
0x52: {  	[tilespmem:s2+$0xFFFFFF80] =	vst v15;
	v1 =	vadd.f32 v1, v4;
	v4 =	vld [tilespmem:s25+$0xFFFFFFA0]  }
0x53: {  	v15 =	vld [tilespmem:s18+$0xFFFFFF90]  }
0x54: {  	v0 =	vld [tilespmem:s21+$0xFFFFFFF0];
	[tilespmem:s21+$0xFFFFFFC0] =	vst v1;
	v1 =	vadd.f32 v9, v2  }
0x55: {  	v7 =	vld [tilespmem:s23+$0xFFFFFFB0]  }
0x56: {  	v5 =	vld [tilespmem:s23+$0x30];
	[tilespmem:s23+$0x20] =	vst v1  }
0x57: {  	v4 =	vadd.f32 v4, v10;
	v10 =	vld [tilespmem:s25+$0x30]  }
0x58: {  	v2 =	vld [tilespmem:s31+$0xFFFFFFD0]  }
0x59: {  	v11 =	vld [tilespmem:s21+$0x60]  }
0x5a: {  	v12 =	vld [tilespmem:s23+$0xFFFFFFC0];
	[tilespmem:s21+$0x50] =	vst v3  }
0x5b: {  	v3 =	vld [tilespmem:s31+$0x60]  }
0x5c: {  	[tilespmem:s23+$0xFFFFFFA0] =	vst v4;
	v4 =	vld [tilespmem:s2+$0x0];
	v5 =	vadd.f32 v10, v5  }
0x5d: {  	v2 =	vadd.f32 v2, v6;
	v6 =	vld [tilespmem:s18+$0x0]  }
0x5e: {  	v10 =	vld [tilespmem:s23+$0x40];
	[tilespmem:s23+$0x30] =	vst v5  }
0x5f: {  	v5 =	vld [tilespmem:s25+$0x40]  }
0x60: {  	v9 =	vld [tilespmem:s21+$0x70];
	v3 =	vadd.f32 v3, v11  }
0x61: {  	v1 =	vld [tilespmem:s23+$0xFFFFFFE0]  }
0x62: {  	[tilespmem:s21+$0x60] =	vst v3;
	v3 =	vld [tilespmem:s25+$0xFFFFFFB0];
	v4 =	vadd.f32 v6, v4  }
0x63: {  	v6 =	vld [tilespmem:s2+$0xFFFFFF90]  }
0x64: {  	[tilespmem:s2+$0x0] =	vst v4;
	v4 =	vld [tilespmem:s2+$0x10];
	v5 =	vadd.f32 v5, v10  }
0x65: {  	v10 =	vld [tilespmem:s18+$0x10]  }
0x66: {  	v11 =	vld [tilespmem:s31+$0x70];
	[tilespmem:s23+$0x40] =	vst v5  }
0x67: {  	v3 =	vadd.f32 v3, v7;
	v7 =	vld [tilespmem:s25+$0x50]  }
0x68: {  	[tilespmem:s21+$0xFFFFFFD0] =	vst v2;
	v2 =	vld [tilespmem:s23+$0xFFFFFFF0]  }
0x69: {  	v14 =	vld [tilespmem:s31+$0xFFFFFFE0];
	[tilespmem:s23+$0xFFFFFFB0] =	vst v3;
	v6 =	vadd.f32 v15, v6  }
0x6a: {  	v3 =	vadd.f32 v10, v4;
	v10 =	vld [tilespmem:s25+$0xFFFFFFC0]  }
0x6b: {  	[tilespmem:s2+$0xFFFFFF90] =	vst v6;
	v6 =	vld [tilespmem:s2+$0xFFFFFFE0]  }
0x6c: {  	v5 =	vld [tilespmem:s2+$0xFFFFFFB0];
	[tilespmem:s2+$0x10] =	vst v3;
	v3 =	vadd.f32 v7, v17  }
0x6d: {  	v7 =	vld [tilespmem:s2+$0x20]  }
0x6e: {  	v15 =	vld [tilespmem:s18+$0x20];
	[tilespmem:s23+$0x50] =	vst v3  }
0x6f: {  	v10 =	vadd.f32 v10, v12;
	v12 =	vld [tilespmem:s25+$0x60]  }
0x70: {  	v61 =	vld [tilespmem:s18+$0xFFFFFFA0]  }
0x71: {  	v4 =	vld [tilespmem:s2+$0xFFFFFFC0];
	[tilespmem:s23+$0xFFFFFFC0] =	vst v10  }
0x72: {  	v10 =	vld [tilespmem:s25+$0xFFFFFFD0]  }
0x73: {  	v3 =	vld [tilespmem:s2+$0xFFFFFFD0];
	v7 =	vadd.f32 v15, v7  }
0x74: {  	v15 =	vld [tilespmem:s23+$0x70];
	v12 =	vadd.f32 v12, v18  }
0x75: {  	[tilespmem:s2+$0x20] =	vst v7;
	v7 =	vadd.f32 v14, v8;
	v14 =	vld [tilespmem:s2+$0x30]  }
0x76: {  	v8 =	vadd.f32 v61, v60;
	v62 =	vld [tilespmem:s18+$0x30];
	[tilespmem:s23+$0x60] =	vst v12  }
0x77: {  	[tilespmem:s21+$0xFFFFFFE0] =	vst v7;
	v7 =	vadd.f32 v10, v13;
	v63 =	vld [tilespmem:s25+$0x70]  }
0x78: {  	[tilespmem:s2+$0xFFFFFFA0] =	vst v8;
	v8 =	vld [tilespmem:s31+$0xFFFFFFF0]  }
0x79: {  	v12 =	vld [tilespmem:s18+$0xFFFFFFB0];
	[tilespmem:s23+$0xFFFFFFD0] =	vst v7  }
0x7a: {  	v10 =	vadd.f32 v11, v9;
	v9 =	vld [tilespmem:s25+$0xFFFFFFE0]  }
0x7b: {  	v7 =	vld [tilespmem:s2+$0xFFFFFFF0];
	v13 =	vadd.f32 v62, v14  }
0x7c: {  	s9 =	simm.s32 $0x4;
	s7 =	simm.s32 $0x6680;
	s12 =	simm.s32 $0xCB80;
	[tilespmem:s21+$0x70] =	vst v10;
	v10 =	vld [tilespmem:s2+$0x40];
	v11 =	vadd.f32 v63, v15  }
.LBB2_2:
0x7d: {  	v14 =	vld [tilespmem:s12+$0x0];
	[tilespmem:s2+$0x30] =	vst v13;
	s18 =	sadd.s32 $0x100, s18;
	v8 =	vadd.f32 v8, v0;
	v0 =	vmov v2  }
0x7e: {  	v13 =	vld [tilespmem:s18+$0x0];
	v12 =	vadd.f32 v12, v5;
	[tilespmem:s23+$0x70] =	vst v11  }
0x7f: {  	s9 =	sadd.s32 $0x2, s9;
	v5 =	vld [tilespmem:s7+$0x40];
	v9 =	vadd.f32 v9, v1;
	[tilespmem:s21+$0xFFFFFFF0] =	vst v8;
	v1 =	vmov v6;
	s21 =	smov.u32 s23;
	s23 =	smov.u32 s2  }
0x80: {  	p0 =	slt.u32 s9, $0xC6;
	s2 =	smov.u32 s12;
	v6 =	vld [tilespmem:s18+$0xFFFFFF80];
	[tilespmem:s23+$0xFFFFFFB0] =	vst v12;
	v2 =	vmov v7  }
0x81: {  	v7 =	vld [tilespmem:s12+$0xFFFFFF80];
	[tilespmem:s21+$0xFFFFFFE0] =	vst v9  }
0x82: {  	v8 =	vld [tilespmem:s12+$0xFFFFFF90]  }
0x83: {  	v9 =	vld [tilespmem:s12+$0xFFFFFFA0];
	v11 =	vadd.f32 v13, v14  }
0x84: {  	v5 =	vadd.f32 v5, v10;
	v10 =	vld [tilespmem:s23+$0x50]  }
0x85: {  	[tilespmem:s12+$0x0] =	vst v11;
	v11 =	vld [tilespmem:s12+$0x10]  }
0x86: {  	v6 =	vadd.f32 v6, v7;
	v7 =	vld [tilespmem:s18+$0x10];
	[tilespmem:s23+$0x40] =	vst v5  }
0x87: {  	v12 =	vld [tilespmem:s7+$0x50]  }
0x88: {  	[tilespmem:s12+$0xFFFFFF80] =	vst v6;
	v5 =	vld [tilespmem:s12+$0xFFFFFFB0]  }
0x89: {  	v6 =	vld [tilespmem:s18+$0xFFFFFF90]  }
0x8a: {  	v13 =	vld [tilespmem:s7+$0xFFFFFFC0]  }
0x8b: {  	v14 =	vld [tilespmem:s12+$0xFFFFFFC0];
	v7 =	vadd.f32 v7, v11  }
0x8c: {  	v10 =	vadd.f32 v12, v10;
	v11 =	vld [tilespmem:s23+$0x60]  }
0x8d: {  	[tilespmem:s12+$0x10] =	vst v7;
	v7 =	vld [tilespmem:s12+$0x20]  }
0x8e: {  	v6 =	vadd.f32 v6, v8;
	v8 =	vld [tilespmem:s18+$0x20];
	[tilespmem:s23+$0x50] =	vst v10  }
0x8f: {  	v10 =	vadd.f32 v13, v4;
	v12 =	vld [tilespmem:s7+$0x60]  }
0x90: {  	[tilespmem:s12+$0xFFFFFF90] =	vst v6;
	v13 =	vld [tilespmem:s12+$0xFFFFFFD0];
	v4 =	vmov v14  }
0x91: {  	v14 =	vld [tilespmem:s18+$0xFFFFFFA0];
	[tilespmem:s23+$0xFFFFFFC0] =	vst v10  }
0x92: {  	v10 =	vld [tilespmem:s7+$0xFFFFFFD0]  }
0x93: {  	v6 =	vld [tilespmem:s12+$0xFFFFFFE0];
	v7 =	vadd.f32 v8, v7  }
0x94: {  	v8 =	vadd.f32 v12, v11;
	v11 =	vld [tilespmem:s23+$0x70]  }
0x95: {  	[tilespmem:s12+$0x20] =	vst v7;
	v15 =	vld [tilespmem:s12+$0x30]  }
0x96: {  	v7 =	vadd.f32 v14, v9;
	v14 =	vld [tilespmem:s18+$0x30];
	[tilespmem:s23+$0x60] =	vst v8  }
0x97: {  	v9 =	vadd.f32 v10, v3;
	v16 =	vld [tilespmem:s7+$0x70];
	v3 =	vmov v13  }
.Ltmp0:
0x98: {  	[tilespmem:s12+$0xFFFFFFA0] =	vst v7;
	v8 =	vld [tilespmem:s25+$0xFFFFFFF0];
	s25 =	smov.u32 s7;
	s7 =	smov.u32 s18;
	(pc) =	sbr.rel @p0 .LBB2_2-.Ltmp0, $4  }
0x99: {  	v12 =	vld [tilespmem:s18+$0xFFFFFFB0];
	[tilespmem:s23+$0xFFFFFFD0] =	vst v9  }
0x9a: {  	v9 =	vld [tilespmem:s25+$0xFFFFFFE0]  }
0x9b: {  	v7 =	vld [tilespmem:s12+$0xFFFFFFF0];
	v13 =	vadd.f32 v14, v15  }
0x9c: {  	s12 =	sadd.s32 $0x100, s12;
	v10 =	vld [tilespmem:s2+$0x40];
	v11 =	vadd.f32 v16, v11  }
0x9d: {  	_ = 	snop  }
0x9e: {  	[tilespmem:s2+$0x30] =	vst v13;
	v5 =	vadd.f32 v12, v5  }
0x9f: {  	v12 =	vld [tilespmem:s7+$0x40]  }
0xa0: {  	[tilespmem:s2+$0xFFFFFFB0] =	vst v5  }
0xa1: {  	v5 =	vld [tilespmem:s7+$0xFFFFFFC0];
	_ =	sdelay $0x2  }
0xa2: {  	v10 =	vadd.f32 v12, v10;
	_ =	sdelay $0x1  }
0xa3: {  	v12 =	vld [tilespmem:s2+$0x50];
	[tilespmem:s2+$0x40] =	vst v10;
	v4 =	vadd.f32 v5, v4  }
0xa4: {  	v5 =	vld [tilespmem:s7+$0x50]  }
0xa5: {  	[tilespmem:s2+$0xFFFFFFC0] =	vst v4  }
0xa6: {  	v4 =	vld [tilespmem:s7+$0xFFFFFFD0];
	_ =	sdelay $0x2  }
0xa7: {  	v5 =	vadd.f32 v5, v12;
	_ =	sdelay $0x1  }
0xa8: {  	v10 =	vld [tilespmem:s2+$0x60];
	[tilespmem:s2+$0x50] =	vst v5;
	v3 =	vadd.f32 v4, v3  }
0xa9: {  	v4 =	vld [tilespmem:s7+$0x60]  }
0xaa: {  	[tilespmem:s2+$0xFFFFFFD0] =	vst v3  }
0xab: {  	v3 =	vld [tilespmem:s7+$0xFFFFFFE0];
	_ =	sdelay $0x2  }
0xac: {  	v4 =	vadd.f32 v4, v10  }
0xad: {  	v1 =	vadd.f32 v9, v1  }
0xae: {  	v5 =	vld [tilespmem:s2+$0x70];
	[tilespmem:s2+$0x60] =	vst v4;
	v3 =	vadd.f32 v3, v6  }
0xaf: {  	[tilespmem:s23+$0xFFFFFFE0] =	vst v1;
	v1 =	vld [tilespmem:s7+$0x70]  }
0xb0: {  	v4 =	vld [tilespmem:s25+$0xFFFFFFF0];
	[tilespmem:s2+$0xFFFFFFE0] =	vst v3  }
0xb1: {  	v3 =	vld [tilespmem:s7+$0xFFFFFFF0];
	_ =	sdelay $0x1  }
0xb2: {  	v0 =	vadd.f32 v8, v0  }
0xb3: {  	[tilespmem:s23+$0x70] =	vst v11;
	v1 =	vadd.f32 v1, v5  }
0xb4: {  	[tilespmem:s21+$0xFFFFFFF0] =	vst v0;
	v0 =	vadd.f32 v4, v2  }
0xb5: {  	[tilespmem:s2+$0x70] =	vst v1;
	v1 =	vadd.f32 v3, v7  }
0xb6: {  	[tilespmem:s23+$0xFFFFFFF0] =	vst v0  }
0xb7: {  	[tilespmem:s2+$0xFFFFFFF0] =	vst v1  }
0xb8: {  	s2 =	rddreg [dreg:$0x6]  }
0xb9: {  	[hbm4b:s2+s5] =	stream.linear.scatter [tilespmem:s16], [sflag:$0x4], $0x6400, $0x38;
	[tilespmem:$0x1F400] =	vst v63  }
0xba: {  	_ =	swait.ge [sflag:s29], $0x6400  }
0xbb: {  	[sflag:s29] =	ssyncset.done $0x0  }
0xbc: {  	s21 =	simm.s32 $0x12C80;
	[sflag:s29] =	ssyncadd.s32 $0xFFFF9C00  }
0xbd: {  	s31 =	simm.s32 $0x6480;
	v0 =	vld [tilespmem:s21+$0x0]  }
0xbe: {  	v1 =	vld [tilespmem:s31+$0x0];
	_ =	sdelay $0x3  }
0xbf: {  	v2 =	vld [tilespmem:s21+$0xFFFFFF80]  }
0xc0: {  	v0 =	vadd.f32 v1, v0;
	v1 =	vld [tilespmem:s31+$0xFFFFFF80];
	_ =	sdelay $0x1  }
0xc1: {  	[tilespmem:s21+$0x0] =	vst v0;
	v0 =	vld [tilespmem:s21+$0x10]  }
0xc2: {  	v3 =	vld [tilespmem:s31+$0x10];
	_ =	sdelay $0x1  }
0xc3: {  	v1 =	vadd.f32 v1, v2;
	_ =	sdelay $0x1  }
0xc4: {  	v4 =	vld [tilespmem:s21+$0xFFFFFF90];
	[tilespmem:s21+$0xFFFFFF80] =	vst v1  }
0xc5: {  	v0 =	vadd.f32 v3, v0;
	v1 =	vld [tilespmem:s31+$0xFFFFFF90];
	_ =	sdelay $0x1  }
0xc6: {  	[tilespmem:s21+$0x10] =	vst v0;
	v0 =	vld [tilespmem:s21+$0x20]  }
0xc7: {  	v3 =	vld [tilespmem:s31+$0x20]  }
0xc8: {  	v5 =	vld [tilespmem:s21+$0xFFFFFFB0]  }
0xc9: {  	s23 =	simm.s32 $0x12D80;
	v6 =	vld [tilespmem:s21+$0xFFFFFFD0];
	v1 =	vadd.f32 v1, v4  }
0xca: {  	v7 =	vld [tilespmem:s23+$0x0]  }
0xcb: {  	v2 =	vld [tilespmem:s21+$0xFFFFFFA0];
	[tilespmem:s21+$0xFFFFFF90] =	vst v1  }
0xcc: {  	v0 =	vadd.f32 v3, v0;
	v1 =	vld [tilespmem:s31+$0xFFFFFFA0]  }
0xcd: {  	v8 =	vld [tilespmem:s21+$0xFFFFFFE0]  }
0xce: {  	[tilespmem:s21+$0x20] =	vst v0;
	v0 =	vld [tilespmem:s21+$0x30]  }
0xcf: {  	s25 =	simm.s32 $0x6580;
	v3 =	vld [tilespmem:s31+$0x30]  }
0xd0: {  	v10 =	vld [tilespmem:s25+$0xFFFFFF80]  }
0xd1: {  	v1 =	vadd.f32 v1, v2;
	v2 =	vld [tilespmem:s25+$0x0]  }
0xd2: {  	v12 =	vld [tilespmem:s23+$0xFFFFFF90]  }
0xd3: {  	s18 =	simm.s32 $0x6680;
	v13 =	vld [tilespmem:s23+$0xFFFFFFD0]  }
0xd4: {  	v15 =	vld [tilespmem:s18+$0xFFFFFF80];
	v0 =	vadd.f32 v3, v0  }
0xd5: {  	[tilespmem:s21+$0xFFFFFFA0] =	vst v1;
	v1 =	vld [tilespmem:s21+$0x40]  }
0xd6: {  	[tilespmem:s21+$0x30] =	vst v0;
	v2 =	vadd.f32 v2, v7;
	v7 =	vld [tilespmem:s23+$0xFFFFFF80]  }
0xd7: {  	s2 =	simm.s32 $0x12E80;
	v9 =	vld [tilespmem:s31+$0x40]  }
0xd8: {  	v16 =	vld [tilespmem:s2+$0xFFFFFF80]  }
0xd9: {  	v3 =	vld [tilespmem:s31+$0xFFFFFFB0]  }
0xda: {  	v17 =	vld [tilespmem:s23+$0x50]  }
0xdb: {  	[tilespmem:s23+$0x0] =	vst v2;
	v2 =	vld [tilespmem:s23+$0x10];
	v7 =	vadd.f32 v10, v7  }
0xdc: {  	v11 =	vld [tilespmem:s25+$0x10];
	v1 =	vadd.f32 v9, v1  }
0xdd: {  	v9 =	vld [tilespmem:s21+$0x50];
	[tilespmem:s23+$0xFFFFFF80] =	vst v7  }
0xde: {  	[tilespmem:s21+$0x40] =	vst v1;
	v1 =	vadd.f32 v3, v5;
	v5 =	vld [tilespmem:s25+$0xFFFFFF90]  }
0xdf: {  	v3 =	vld [tilespmem:s31+$0x50]  }
0xe0: {  	v60 =	vld [tilespmem:s2+$0xFFFFFFA0]  }
0xe1: {  	v4 =	vld [tilespmem:s21+$0xFFFFFFC0];
	v2 =	vadd.f32 v11, v2;
	[tilespmem:s21+$0xFFFFFFB0] =	vst v1  }
0xe2: {  	v1 =	vld [tilespmem:s31+$0xFFFFFFC0]  }
0xe3: {  	[tilespmem:s23+$0x10] =	vst v2;
	v2 =	vld [tilespmem:s23+$0x20]  }
0xe4: {  	v5 =	vadd.f32 v5, v12;
	v3 =	vadd.f32 v3, v9;
	v9 =	vld [tilespmem:s25+$0x20]  }
0xe5: {  	v18 =	vld [tilespmem:s23+$0x60];
	v15 =	vadd.f32 v15, v16  }
0xe6: {  	v10 =	vld [tilespmem:s23+$0xFFFFFFA0];
	[tilespmem:s23+$0xFFFFFF90] =	vst v5  }
0xe7: {  	[tilespmem:s2+$0xFFFFFF80] =	vst v15;
	v1 =	vadd.f32 v1, v4;
	v4 =	vld [tilespmem:s25+$0xFFFFFFA0]  }
0xe8: {  	v15 =	vld [tilespmem:s18+$0xFFFFFF90]  }
0xe9: {  	v0 =	vld [tilespmem:s21+$0xFFFFFFF0];
	[tilespmem:s21+$0xFFFFFFC0] =	vst v1;
	v1 =	vadd.f32 v9, v2  }
0xea: {  	v7 =	vld [tilespmem:s23+$0xFFFFFFB0]  }
0xeb: {  	v5 =	vld [tilespmem:s23+$0x30];
	[tilespmem:s23+$0x20] =	vst v1  }
0xec: {  	v4 =	vadd.f32 v4, v10;
	v10 =	vld [tilespmem:s25+$0x30]  }
0xed: {  	v2 =	vld [tilespmem:s31+$0xFFFFFFD0]  }
0xee: {  	v11 =	vld [tilespmem:s21+$0x60]  }
0xef: {  	v12 =	vld [tilespmem:s23+$0xFFFFFFC0];
	[tilespmem:s21+$0x50] =	vst v3  }
0xf0: {  	v3 =	vld [tilespmem:s31+$0x60]  }
0xf1: {  	[tilespmem:s23+$0xFFFFFFA0] =	vst v4;
	v4 =	vld [tilespmem:s2+$0x0];
	v5 =	vadd.f32 v10, v5  }
0xf2: {  	v2 =	vadd.f32 v2, v6;
	v6 =	vld [tilespmem:s18+$0x0]  }
0xf3: {  	v10 =	vld [tilespmem:s23+$0x40];
	[tilespmem:s23+$0x30] =	vst v5  }
0xf4: {  	v5 =	vld [tilespmem:s25+$0x40]  }
0xf5: {  	v9 =	vld [tilespmem:s21+$0x70];
	v3 =	vadd.f32 v3, v11  }
0xf6: {  	v1 =	vld [tilespmem:s23+$0xFFFFFFE0]  }
0xf7: {  	[tilespmem:s21+$0x60] =	vst v3;
	v3 =	vld [tilespmem:s25+$0xFFFFFFB0];
	v4 =	vadd.f32 v6, v4  }
0xf8: {  	v6 =	vld [tilespmem:s2+$0xFFFFFF90]  }
0xf9: {  	[tilespmem:s2+$0x0] =	vst v4;
	v4 =	vld [tilespmem:s2+$0x10];
	v5 =	vadd.f32 v5, v10  }
0xfa: {  	v10 =	vld [tilespmem:s18+$0x10]  }
0xfb: {  	v11 =	vld [tilespmem:s31+$0x70];
	[tilespmem:s23+$0x40] =	vst v5  }
0xfc: {  	v3 =	vadd.f32 v3, v7;
	v7 =	vld [tilespmem:s25+$0x50]  }
0xfd: {  	[tilespmem:s21+$0xFFFFFFD0] =	vst v2;
	v2 =	vld [tilespmem:s23+$0xFFFFFFF0]  }
0xfe: {  	v14 =	vld [tilespmem:s31+$0xFFFFFFE0];
	[tilespmem:s23+$0xFFFFFFB0] =	vst v3;
	v6 =	vadd.f32 v15, v6  }
0xff: {  	v3 =	vadd.f32 v10, v4;
	v10 =	vld [tilespmem:s25+$0xFFFFFFC0]  }
0x100: {  	[tilespmem:s2+$0xFFFFFF90] =	vst v6;
	v6 =	vld [tilespmem:s2+$0xFFFFFFE0]  }
0x101: {  	v5 =	vld [tilespmem:s2+$0xFFFFFFB0];
	[tilespmem:s2+$0x10] =	vst v3;
	v3 =	vadd.f32 v7, v17  }
0x102: {  	v7 =	vld [tilespmem:s2+$0x20]  }
0x103: {  	v15 =	vld [tilespmem:s18+$0x20];
	[tilespmem:s23+$0x50] =	vst v3  }
0x104: {  	v10 =	vadd.f32 v10, v12;
	v12 =	vld [tilespmem:s25+$0x60]  }
0x105: {  	v61 =	vld [tilespmem:s18+$0xFFFFFFA0]  }
0x106: {  	v4 =	vld [tilespmem:s2+$0xFFFFFFC0];
	[tilespmem:s23+$0xFFFFFFC0] =	vst v10  }
0x107: {  	v10 =	vld [tilespmem:s25+$0xFFFFFFD0]  }
0x108: {  	v3 =	vld [tilespmem:s2+$0xFFFFFFD0];
	v7 =	vadd.f32 v15, v7  }
0x109: {  	v15 =	vld [tilespmem:s23+$0x70];
	v12 =	vadd.f32 v12, v18  }
0x10a: {  	[tilespmem:s2+$0x20] =	vst v7;
	v7 =	vadd.f32 v14, v8;
	v14 =	vld [tilespmem:s2+$0x30]  }
0x10b: {  	v8 =	vadd.f32 v61, v60;
	v62 =	vld [tilespmem:s18+$0x30];
	[tilespmem:s23+$0x60] =	vst v12  }
0x10c: {  	[tilespmem:s21+$0xFFFFFFE0] =	vst v7;
	v7 =	vadd.f32 v10, v13;
	v63 =	vld [tilespmem:s25+$0x70]  }
0x10d: {  	[tilespmem:s2+$0xFFFFFFA0] =	vst v8;
	v8 =	vld [tilespmem:s31+$0xFFFFFFF0]  }
0x10e: {  	v12 =	vld [tilespmem:s18+$0xFFFFFFB0];
	[tilespmem:s23+$0xFFFFFFD0] =	vst v7  }
0x10f: {  	v10 =	vadd.f32 v11, v9;
	v9 =	vld [tilespmem:s25+$0xFFFFFFE0]  }
0x110: {  	v7 =	vld [tilespmem:s2+$0xFFFFFFF0];
	v13 =	vadd.f32 v62, v14  }
0x111: {  	s9 =	simm.s32 $0x4;
	s12 =	simm.s32 $0x12F80;
	s7 =	simm.s32 $0x6680;
	[tilespmem:s21+$0x70] =	vst v10;
	v10 =	vld [tilespmem:s2+$0x40];
	v11 =	vadd.f32 v63, v15  }
.LBB2_4:
0x112: {  	v14 =	vld [tilespmem:s12+$0x0];
	[tilespmem:s2+$0x30] =	vst v13;
	s18 =	sadd.s32 $0x100, s18;
	v8 =	vadd.f32 v8, v0;
	v0 =	vmov v2  }
0x113: {  	v13 =	vld [tilespmem:s18+$0x0];
	v12 =	vadd.f32 v12, v5;
	[tilespmem:s23+$0x70] =	vst v11  }
0x114: {  	s9 =	sadd.s32 $0x2, s9;
	v5 =	vld [tilespmem:s7+$0x40];
	v9 =	vadd.f32 v9, v1;
	[tilespmem:s21+$0xFFFFFFF0] =	vst v8;
	v1 =	vmov v6;
	s21 =	smov.u32 s23;
	s23 =	smov.u32 s2  }
0x115: {  	p0 =	slt.u32 s9, $0xC6;
	s2 =	smov.u32 s12;
	v6 =	vld [tilespmem:s18+$0xFFFFFF80];
	[tilespmem:s23+$0xFFFFFFB0] =	vst v12;
	v2 =	vmov v7  }
0x116: {  	v7 =	vld [tilespmem:s12+$0xFFFFFF80];
	[tilespmem:s21+$0xFFFFFFE0] =	vst v9  }
0x117: {  	v8 =	vld [tilespmem:s12+$0xFFFFFF90]  }
0x118: {  	v9 =	vld [tilespmem:s12+$0xFFFFFFA0];
	v11 =	vadd.f32 v13, v14  }
0x119: {  	v5 =	vadd.f32 v5, v10;
	v10 =	vld [tilespmem:s23+$0x50]  }
0x11a: {  	[tilespmem:s12+$0x0] =	vst v11;
	v11 =	vld [tilespmem:s12+$0x10]  }
0x11b: {  	v6 =	vadd.f32 v6, v7;
	v7 =	vld [tilespmem:s18+$0x10];
	[tilespmem:s23+$0x40] =	vst v5  }
0x11c: {  	v12 =	vld [tilespmem:s7+$0x50]  }
0x11d: {  	[tilespmem:s12+$0xFFFFFF80] =	vst v6;
	v5 =	vld [tilespmem:s12+$0xFFFFFFB0]  }
0x11e: {  	v6 =	vld [tilespmem:s18+$0xFFFFFF90]  }
0x11f: {  	v13 =	vld [tilespmem:s7+$0xFFFFFFC0]  }
0x120: {  	v14 =	vld [tilespmem:s12+$0xFFFFFFC0];
	v7 =	vadd.f32 v7, v11  }
0x121: {  	v10 =	vadd.f32 v12, v10;
	v11 =	vld [tilespmem:s23+$0x60]  }
0x122: {  	[tilespmem:s12+$0x10] =	vst v7;
	v7 =	vld [tilespmem:s12+$0x20]  }
0x123: {  	v6 =	vadd.f32 v6, v8;
	v8 =	vld [tilespmem:s18+$0x20];
	[tilespmem:s23+$0x50] =	vst v10  }
0x124: {  	v10 =	vadd.f32 v13, v4;
	v12 =	vld [tilespmem:s7+$0x60]  }
0x125: {  	[tilespmem:s12+$0xFFFFFF90] =	vst v6;
	v13 =	vld [tilespmem:s12+$0xFFFFFFD0];
	v4 =	vmov v14  }
0x126: {  	v14 =	vld [tilespmem:s18+$0xFFFFFFA0];
	[tilespmem:s23+$0xFFFFFFC0] =	vst v10  }
0x127: {  	v10 =	vld [tilespmem:s7+$0xFFFFFFD0]  }
0x128: {  	v6 =	vld [tilespmem:s12+$0xFFFFFFE0];
	v7 =	vadd.f32 v8, v7  }
0x129: {  	v8 =	vadd.f32 v12, v11;
	v11 =	vld [tilespmem:s23+$0x70]  }
0x12a: {  	[tilespmem:s12+$0x20] =	vst v7;
	v15 =	vld [tilespmem:s12+$0x30]  }
0x12b: {  	v7 =	vadd.f32 v14, v9;
	v14 =	vld [tilespmem:s18+$0x30];
	[tilespmem:s23+$0x60] =	vst v8  }
0x12c: {  	v9 =	vadd.f32 v10, v3;
	v16 =	vld [tilespmem:s7+$0x70];
	v3 =	vmov v13  }
.Ltmp1:
0x12d: {  	[tilespmem:s12+$0xFFFFFFA0] =	vst v7;
	v8 =	vld [tilespmem:s25+$0xFFFFFFF0];
	s25 =	smov.u32 s7;
	s7 =	smov.u32 s18;
	(pc) =	sbr.rel @p0 .LBB2_4-.Ltmp1, $4  }
0x12e: {  	v12 =	vld [tilespmem:s18+$0xFFFFFFB0];
	[tilespmem:s23+$0xFFFFFFD0] =	vst v9  }
0x12f: {  	v9 =	vld [tilespmem:s25+$0xFFFFFFE0]  }
0x130: {  	v7 =	vld [tilespmem:s12+$0xFFFFFFF0];
	v13 =	vadd.f32 v14, v15  }
0x131: {  	s12 =	sadd.s32 $0x100, s12;
	v10 =	vld [tilespmem:s2+$0x40];
	v11 =	vadd.f32 v16, v11  }
0x132: {  	_ = 	snop  }
0x133: {  	v5 =	vadd.f32 v12, v5  }
0x134: {  	[tilespmem:s2+$0x30] =	vst v13  }
0x135: {  	v54 =	vld [tilespmem:s7+$0x40];
	[tilespmem:s2+$0xFFFFFFB0] =	vst v5  }
0x136: {  	v5 =	vld [tilespmem:s7+$0xFFFFFFC0];
	_ =	sdelay $0x3  }
0x137: {  	v10 =	vadd.f32 v54, v10  }
0x138: {  	v4 =	vadd.f32 v5, v4  }
0x139: {  	v55 =	vld [tilespmem:s2+$0x50];
	[tilespmem:s2+$0x40] =	vst v10  }
0x13a: {  	v56 =	vld [tilespmem:s7+$0x50];
	[tilespmem:s2+$0xFFFFFFC0] =	vst v4  }
0x13b: {  	v4 =	vld [tilespmem:s7+$0xFFFFFFD0];
	_ =	sdelay $0x3  }
0x13c: {  	v5 =	vadd.f32 v56, v55  }
0x13d: {  	v3 =	vadd.f32 v4, v3  }
0x13e: {  	v57 =	vld [tilespmem:s2+$0x60];
	[tilespmem:s2+$0x50] =	vst v5  }
0x13f: {  	v58 =	vld [tilespmem:s7+$0x60];
	[tilespmem:s2+$0xFFFFFFD0] =	vst v3  }
0x140: {  	v3 =	vld [tilespmem:s7+$0xFFFFFFE0];
	_ =	sdelay $0x2  }
0x141: {  	v1 =	vadd.f32 v9, v1  }
0x142: {  	v4 =	vadd.f32 v58, v57  }
0x143: {  	v59 =	vld [tilespmem:s2+$0x70];
	[tilespmem:s23+$0xFFFFFFE0] =	vst v1;
	v3 =	vadd.f32 v3, v6  }
0x144: {  	v61 =	vld [tilespmem:s25+$0xFFFFFFF0];
	[tilespmem:s2+$0x60] =	vst v4  }
0x145: {  	v60 =	vld [tilespmem:s7+$0x70];
	[tilespmem:s2+$0xFFFFFFE0] =	vst v3  }
0x146: {  	v3 =	vld [tilespmem:s7+$0xFFFFFFF0];
	_ =	sdelay $0x1  }
0x147: {  	v0 =	vadd.f32 v8, v0  }
0x148: {  	[tilespmem:s23+$0x70] =	vst v11;
	v62 =	vadd.f32 v61, v2  }
0x149: {  	[tilespmem:s21+$0xFFFFFFF0] =	vst v0;
	v1 =	vadd.f32 v60, v59  }
0x14a: {  	[tilespmem:s23+$0xFFFFFFF0] =	vst v62;
	v63 =	vadd.f32 v3, v7  }
0x14b: {  	[tilespmem:s2+$0x70] =	vst v1  }
0x14c: {  	[tilespmem:s2+$0xFFFFFFF0] =	vst v63  }
0x14d: {  	_ =	swait.ge [sflag:s30], $0x6400  }
0x14e: {  	[sflag:s30] =	ssyncset.done $0x0  }
0x14f: {  	s25 =	simm.s32 $0x258;
	[sflag:s30] =	ssyncadd.s32 $0xFFFF9C00  }
0x150: {  	[tilespmem:s16], [sflag:$0x1] =	stream.indirect.gather [hbm4b:s1+s15], $0x80, s25, s15, $0xb8;
	[tilespmem:$0x1F400] =	vst v63  }
0x151: {  	s26 =	simm.s32 $0x2C0  }
0x152: {  	[tilespmem:s8], [sflag:$0x1] =	stream.indirect.gather [hbm4b:s1+s17], $0x80, s26, s17, $0xb8;
	[tilespmem:$0x1F400] =	vst v63  }
0x153: {  	s21 =	simm.s32 $0x0;
	s31 =	rddreg [dreg:$0x7]  }
0x154: {  	[hbm4b:s31+s21] =	stream.linear.scatter [tilespmem:s20], [sflag:$0x5], $0x6400, $0x38;
	[tilespmem:$0x1F400] =	vst v63  }
.LBB2_6:
0x155: {  	_ =	swait.ge [sflag:s0], $0x6400  }
0x156: {  	[sflag:s0] =	ssyncset.done $0x0  }
0x157: {  	s23 =	simm.s32 $0x19080;
	[sflag:s0] =	ssyncadd.s32 $0xFFFF9C00  }
0x158: {  	s7 =	simm.s32 $0x6480;
	v0 =	vld [tilespmem:s23+$0x0]  }
0x159: {  	v1 =	vld [tilespmem:s7+$0x0];
	_ =	sdelay $0x3  }
0x15a: {  	v2 =	vld [tilespmem:s23+$0xFFFFFF80]  }
0x15b: {  	v0 =	vadd.f32 v1, v0;
	v1 =	vld [tilespmem:s7+$0xFFFFFF80];
	_ =	sdelay $0x1  }
0x15c: {  	[tilespmem:s23+$0x0] =	vst v0;
	v0 =	vld [tilespmem:s23+$0x10]  }
0x15d: {  	v3 =	vld [tilespmem:s7+$0x10];
	_ =	sdelay $0x1  }
0x15e: {  	v1 =	vadd.f32 v1, v2;
	_ =	sdelay $0x1  }
0x15f: {  	v4 =	vld [tilespmem:s23+$0xFFFFFF90];
	[tilespmem:s23+$0xFFFFFF80] =	vst v1  }
0x160: {  	v0 =	vadd.f32 v3, v0;
	v1 =	vld [tilespmem:s7+$0xFFFFFF90];
	_ =	sdelay $0x1  }
0x161: {  	[tilespmem:s23+$0x10] =	vst v0;
	v0 =	vld [tilespmem:s23+$0x20]  }
0x162: {  	v3 =	vld [tilespmem:s7+$0x20]  }
0x163: {  	v5 =	vld [tilespmem:s23+$0xFFFFFFB0]  }
0x164: {  	s26 =	simm.s32 $0x19180;
	v6 =	vld [tilespmem:s23+$0xFFFFFFD0];
	v1 =	vadd.f32 v1, v4  }
0x165: {  	v7 =	vld [tilespmem:s26+$0x0]  }
0x166: {  	v2 =	vld [tilespmem:s23+$0xFFFFFFA0];
	[tilespmem:s23+$0xFFFFFF90] =	vst v1  }
0x167: {  	v0 =	vadd.f32 v3, v0;
	v1 =	vld [tilespmem:s7+$0xFFFFFFA0]  }
0x168: {  	v8 =	vld [tilespmem:s23+$0xFFFFFFE0]  }
0x169: {  	[tilespmem:s23+$0x20] =	vst v0;
	v0 =	vld [tilespmem:s23+$0x30]  }
0x16a: {  	s25 =	simm.s32 $0x6580;
	v3 =	vld [tilespmem:s7+$0x30]  }
0x16b: {  	v10 =	vld [tilespmem:s25+$0xFFFFFF80]  }
0x16c: {  	v1 =	vadd.f32 v1, v2;
	v2 =	vld [tilespmem:s25+$0x0]  }
0x16d: {  	v12 =	vld [tilespmem:s26+$0xFFFFFF90]  }
0x16e: {  	s18 =	simm.s32 $0x6680;
	v13 =	vld [tilespmem:s26+$0xFFFFFFD0]  }
0x16f: {  	v15 =	vld [tilespmem:s18+$0xFFFFFF80];
	v0 =	vadd.f32 v3, v0  }
0x170: {  	[tilespmem:s23+$0xFFFFFFA0] =	vst v1;
	v1 =	vld [tilespmem:s23+$0x40]  }
0x171: {  	[tilespmem:s23+$0x30] =	vst v0;
	v2 =	vadd.f32 v2, v7;
	v7 =	vld [tilespmem:s26+$0xFFFFFF80]  }
0x172: {  	s2 =	simm.s32 $0x19280;
	v9 =	vld [tilespmem:s7+$0x40]  }
0x173: {  	v16 =	vld [tilespmem:s2+$0xFFFFFF80]  }
0x174: {  	v3 =	vld [tilespmem:s7+$0xFFFFFFB0]  }
0x175: {  	v17 =	vld [tilespmem:s26+$0x50]  }
0x176: {  	[tilespmem:s26+$0x0] =	vst v2;
	v2 =	vld [tilespmem:s26+$0x10];
	v7 =	vadd.f32 v10, v7  }
0x177: {  	v11 =	vld [tilespmem:s25+$0x10];
	v1 =	vadd.f32 v9, v1  }
0x178: {  	v9 =	vld [tilespmem:s23+$0x50];
	[tilespmem:s26+$0xFFFFFF80] =	vst v7  }
0x179: {  	[tilespmem:s23+$0x40] =	vst v1;
	v1 =	vadd.f32 v3, v5;
	v5 =	vld [tilespmem:s25+$0xFFFFFF90]  }
0x17a: {  	v3 =	vld [tilespmem:s7+$0x50]  }
0x17b: {  	v60 =	vld [tilespmem:s2+$0xFFFFFFA0]  }
0x17c: {  	v4 =	vld [tilespmem:s23+$0xFFFFFFC0];
	v2 =	vadd.f32 v11, v2;
	[tilespmem:s23+$0xFFFFFFB0] =	vst v1  }
0x17d: {  	v1 =	vld [tilespmem:s7+$0xFFFFFFC0]  }
0x17e: {  	[tilespmem:s26+$0x10] =	vst v2;
	v2 =	vld [tilespmem:s26+$0x20]  }
0x17f: {  	v5 =	vadd.f32 v5, v12;
	v3 =	vadd.f32 v3, v9;
	v9 =	vld [tilespmem:s25+$0x20]  }
0x180: {  	v18 =	vld [tilespmem:s26+$0x60];
	v15 =	vadd.f32 v15, v16  }
0x181: {  	v10 =	vld [tilespmem:s26+$0xFFFFFFA0];
	[tilespmem:s26+$0xFFFFFF90] =	vst v5  }
0x182: {  	[tilespmem:s2+$0xFFFFFF80] =	vst v15;
	v1 =	vadd.f32 v1, v4;
	v4 =	vld [tilespmem:s25+$0xFFFFFFA0]  }
0x183: {  	v15 =	vld [tilespmem:s18+$0xFFFFFF90]  }
0x184: {  	v0 =	vld [tilespmem:s23+$0xFFFFFFF0];
	[tilespmem:s23+$0xFFFFFFC0] =	vst v1;
	v1 =	vadd.f32 v9, v2  }
0x185: {  	v7 =	vld [tilespmem:s26+$0xFFFFFFB0]  }
0x186: {  	v5 =	vld [tilespmem:s26+$0x30];
	[tilespmem:s26+$0x20] =	vst v1  }
0x187: {  	v4 =	vadd.f32 v4, v10;
	v10 =	vld [tilespmem:s25+$0x30]  }
0x188: {  	v2 =	vld [tilespmem:s7+$0xFFFFFFD0]  }
0x189: {  	v11 =	vld [tilespmem:s23+$0x60]  }
0x18a: {  	v12 =	vld [tilespmem:s26+$0xFFFFFFC0];
	[tilespmem:s23+$0x50] =	vst v3  }
0x18b: {  	v3 =	vld [tilespmem:s7+$0x60]  }
0x18c: {  	[tilespmem:s26+$0xFFFFFFA0] =	vst v4;
	v4 =	vld [tilespmem:s2+$0x0];
	v5 =	vadd.f32 v10, v5  }
0x18d: {  	v2 =	vadd.f32 v2, v6;
	v6 =	vld [tilespmem:s18+$0x0]  }
0x18e: {  	v10 =	vld [tilespmem:s26+$0x40];
	[tilespmem:s26+$0x30] =	vst v5  }
0x18f: {  	v5 =	vld [tilespmem:s25+$0x40]  }
0x190: {  	v9 =	vld [tilespmem:s23+$0x70];
	v3 =	vadd.f32 v3, v11  }
0x191: {  	v1 =	vld [tilespmem:s26+$0xFFFFFFE0]  }
0x192: {  	[tilespmem:s23+$0x60] =	vst v3;
	v3 =	vld [tilespmem:s25+$0xFFFFFFB0];
	v4 =	vadd.f32 v6, v4  }
0x193: {  	v6 =	vld [tilespmem:s2+$0xFFFFFF90]  }
0x194: {  	[tilespmem:s2+$0x0] =	vst v4;
	v4 =	vld [tilespmem:s2+$0x10];
	v5 =	vadd.f32 v5, v10  }
0x195: {  	v10 =	vld [tilespmem:s18+$0x10]  }
0x196: {  	v11 =	vld [tilespmem:s7+$0x70];
	[tilespmem:s26+$0x40] =	vst v5  }
0x197: {  	v3 =	vadd.f32 v3, v7;
	v7 =	vld [tilespmem:s25+$0x50]  }
0x198: {  	[tilespmem:s23+$0xFFFFFFD0] =	vst v2;
	v2 =	vld [tilespmem:s26+$0xFFFFFFF0]  }
0x199: {  	v14 =	vld [tilespmem:s7+$0xFFFFFFE0];
	[tilespmem:s26+$0xFFFFFFB0] =	vst v3;
	v6 =	vadd.f32 v15, v6  }
0x19a: {  	v3 =	vadd.f32 v10, v4;
	v10 =	vld [tilespmem:s25+$0xFFFFFFC0]  }
0x19b: {  	[tilespmem:s2+$0xFFFFFF90] =	vst v6;
	v6 =	vld [tilespmem:s2+$0xFFFFFFE0]  }
0x19c: {  	v5 =	vld [tilespmem:s2+$0xFFFFFFB0];
	[tilespmem:s2+$0x10] =	vst v3;
	v3 =	vadd.f32 v7, v17  }
0x19d: {  	v7 =	vld [tilespmem:s2+$0x20]  }
0x19e: {  	v15 =	vld [tilespmem:s18+$0x20];
	[tilespmem:s26+$0x50] =	vst v3  }
0x19f: {  	v10 =	vadd.f32 v10, v12;
	v12 =	vld [tilespmem:s25+$0x60]  }
0x1a0: {  	v61 =	vld [tilespmem:s18+$0xFFFFFFA0]  }
0x1a1: {  	v4 =	vld [tilespmem:s2+$0xFFFFFFC0];
	[tilespmem:s26+$0xFFFFFFC0] =	vst v10  }
0x1a2: {  	v10 =	vld [tilespmem:s25+$0xFFFFFFD0]  }
0x1a3: {  	v3 =	vld [tilespmem:s2+$0xFFFFFFD0];
	v7 =	vadd.f32 v15, v7  }
0x1a4: {  	v15 =	vld [tilespmem:s26+$0x70];
	v12 =	vadd.f32 v12, v18  }
0x1a5: {  	[tilespmem:s2+$0x20] =	vst v7;
	v7 =	vadd.f32 v14, v8;
	v14 =	vld [tilespmem:s2+$0x30]  }
0x1a6: {  	v8 =	vadd.f32 v61, v60;
	v62 =	vld [tilespmem:s18+$0x30];
	[tilespmem:s26+$0x60] =	vst v12  }
0x1a7: {  	[tilespmem:s23+$0xFFFFFFE0] =	vst v7;
	v7 =	vadd.f32 v10, v13;
	v63 =	vld [tilespmem:s25+$0x70]  }
0x1a8: {  	[tilespmem:s2+$0xFFFFFFA0] =	vst v8;
	v8 =	vld [tilespmem:s7+$0xFFFFFFF0]  }
0x1a9: {  	v12 =	vld [tilespmem:s18+$0xFFFFFFB0];
	[tilespmem:s26+$0xFFFFFFD0] =	vst v7  }
0x1aa: {  	v10 =	vadd.f32 v11, v9;
	v9 =	vld [tilespmem:s25+$0xFFFFFFE0]  }
0x1ab: {  	v7 =	vld [tilespmem:s2+$0xFFFFFFF0];
	v13 =	vadd.f32 v62, v14  }
0x1ac: {  	s9 =	simm.s32 $0x4;
	s12 =	simm.s32 $0x19380;
	s7 =	simm.s32 $0x6680;
	[tilespmem:s23+$0x70] =	vst v10;
	v10 =	vld [tilespmem:s2+$0x40];
	v11 =	vadd.f32 v63, v15  }
.LBB2_7:
0x1ad: {  	v14 =	vld [tilespmem:s12+$0x0];
	[tilespmem:s2+$0x30] =	vst v13;
	s18 =	sadd.s32 $0x100, s18;
	v8 =	vadd.f32 v8, v0;
	v0 =	vmov v2  }
0x1ae: {  	v13 =	vld [tilespmem:s18+$0x0];
	v12 =	vadd.f32 v12, v5;
	[tilespmem:s26+$0x70] =	vst v11  }
0x1af: {  	s9 =	sadd.s32 $0x2, s9;
	v5 =	vld [tilespmem:s7+$0x40];
	v9 =	vadd.f32 v9, v1;
	[tilespmem:s23+$0xFFFFFFF0] =	vst v8;
	v1 =	vmov v6;
	s23 =	smov.u32 s26;
	s26 =	smov.u32 s2  }
0x1b0: {  	p0 =	slt.u32 s9, $0xC6;
	s2 =	smov.u32 s12;
	v6 =	vld [tilespmem:s18+$0xFFFFFF80];
	[tilespmem:s26+$0xFFFFFFB0] =	vst v12;
	v2 =	vmov v7  }
0x1b1: {  	v7 =	vld [tilespmem:s12+$0xFFFFFF80];
	[tilespmem:s23+$0xFFFFFFE0] =	vst v9  }
0x1b2: {  	v8 =	vld [tilespmem:s12+$0xFFFFFF90]  }
0x1b3: {  	v9 =	vld [tilespmem:s12+$0xFFFFFFA0];
	v11 =	vadd.f32 v13, v14  }
0x1b4: {  	v5 =	vadd.f32 v5, v10;
	v10 =	vld [tilespmem:s26+$0x50]  }
0x1b5: {  	[tilespmem:s12+$0x0] =	vst v11;
	v11 =	vld [tilespmem:s12+$0x10]  }
0x1b6: {  	v6 =	vadd.f32 v6, v7;
	v7 =	vld [tilespmem:s18+$0x10];
	[tilespmem:s26+$0x40] =	vst v5  }
0x1b7: {  	v12 =	vld [tilespmem:s7+$0x50]  }
0x1b8: {  	[tilespmem:s12+$0xFFFFFF80] =	vst v6;
	v5 =	vld [tilespmem:s12+$0xFFFFFFB0]  }
0x1b9: {  	v6 =	vld [tilespmem:s18+$0xFFFFFF90]  }
0x1ba: {  	v13 =	vld [tilespmem:s7+$0xFFFFFFC0]  }
0x1bb: {  	v14 =	vld [tilespmem:s12+$0xFFFFFFC0];
	v7 =	vadd.f32 v7, v11  }
0x1bc: {  	v10 =	vadd.f32 v12, v10;
	v11 =	vld [tilespmem:s26+$0x60]  }
0x1bd: {  	[tilespmem:s12+$0x10] =	vst v7;
	v7 =	vld [tilespmem:s12+$0x20]  }
0x1be: {  	v6 =	vadd.f32 v6, v8;
	v8 =	vld [tilespmem:s18+$0x20];
	[tilespmem:s26+$0x50] =	vst v10  }
0x1bf: {  	v10 =	vadd.f32 v13, v4;
	v12 =	vld [tilespmem:s7+$0x60]  }
0x1c0: {  	[tilespmem:s12+$0xFFFFFF90] =	vst v6;
	v13 =	vld [tilespmem:s12+$0xFFFFFFD0];
	v4 =	vmov v14  }
0x1c1: {  	v14 =	vld [tilespmem:s18+$0xFFFFFFA0];
	[tilespmem:s26+$0xFFFFFFC0] =	vst v10  }
0x1c2: {  	v10 =	vld [tilespmem:s7+$0xFFFFFFD0]  }
0x1c3: {  	v6 =	vld [tilespmem:s12+$0xFFFFFFE0];
	v7 =	vadd.f32 v8, v7  }
0x1c4: {  	v8 =	vadd.f32 v12, v11;
	v11 =	vld [tilespmem:s26+$0x70]  }
0x1c5: {  	[tilespmem:s12+$0x20] =	vst v7;
	v15 =	vld [tilespmem:s12+$0x30]  }
0x1c6: {  	v7 =	vadd.f32 v14, v9;
	v14 =	vld [tilespmem:s18+$0x30];
	[tilespmem:s26+$0x60] =	vst v8  }
0x1c7: {  	v9 =	vadd.f32 v10, v3;
	v16 =	vld [tilespmem:s7+$0x70];
	v3 =	vmov v13  }
.Ltmp2:
0x1c8: {  	[tilespmem:s12+$0xFFFFFFA0] =	vst v7;
	v8 =	vld [tilespmem:s25+$0xFFFFFFF0];
	s25 =	smov.u32 s7;
	s7 =	smov.u32 s18;
	(pc) =	sbr.rel @p0 .LBB2_7-.Ltmp2, $4  }
0x1c9: {  	v12 =	vld [tilespmem:s18+$0xFFFFFFB0];
	[tilespmem:s26+$0xFFFFFFD0] =	vst v9  }
0x1ca: {  	v9 =	vld [tilespmem:s25+$0xFFFFFFE0]  }
0x1cb: {  	v7 =	vld [tilespmem:s12+$0xFFFFFFF0];
	v13 =	vadd.f32 v14, v15  }
0x1cc: {  	s12 =	sadd.s32 $0x100, s12;
	v10 =	vld [tilespmem:s2+$0x40];
	v11 =	vadd.f32 v16, v11  }
0x1cd: {  	_ = 	snop  }
0x1ce: {  	[tilespmem:s2+$0x30] =	vst v13;
	v5 =	vadd.f32 v12, v5  }
0x1cf: {  	v12 =	vld [tilespmem:s7+$0x40]  }
0x1d0: {  	[tilespmem:s2+$0xFFFFFFB0] =	vst v5  }
0x1d1: {  	v5 =	vld [tilespmem:s7+$0xFFFFFFC0];
	_ =	sdelay $0x2  }
0x1d2: {  	v10 =	vadd.f32 v12, v10;
	_ =	sdelay $0x1  }
0x1d3: {  	v12 =	vld [tilespmem:s2+$0x50];
	[tilespmem:s2+$0x40] =	vst v10;
	v4 =	vadd.f32 v5, v4  }
0x1d4: {  	v5 =	vld [tilespmem:s7+$0x50]  }
0x1d5: {  	[tilespmem:s2+$0xFFFFFFC0] =	vst v4  }
0x1d6: {  	v4 =	vld [tilespmem:s7+$0xFFFFFFD0];
	_ =	sdelay $0x2  }
0x1d7: {  	v5 =	vadd.f32 v5, v12;
	_ =	sdelay $0x1  }
0x1d8: {  	v10 =	vld [tilespmem:s2+$0x60];
	[tilespmem:s2+$0x50] =	vst v5;
	v3 =	vadd.f32 v4, v3  }
0x1d9: {  	v4 =	vld [tilespmem:s7+$0x60]  }
0x1da: {  	[tilespmem:s2+$0xFFFFFFD0] =	vst v3  }
0x1db: {  	v3 =	vld [tilespmem:s7+$0xFFFFFFE0];
	_ =	sdelay $0x2  }
0x1dc: {  	v4 =	vadd.f32 v4, v10  }
0x1dd: {  	v1 =	vadd.f32 v9, v1  }
0x1de: {  	v5 =	vld [tilespmem:s2+$0x70];
	[tilespmem:s2+$0x60] =	vst v4;
	v3 =	vadd.f32 v3, v6  }
0x1df: {  	[tilespmem:s26+$0xFFFFFFE0] =	vst v1;
	v1 =	vld [tilespmem:s7+$0x70]  }
0x1e0: {  	v4 =	vld [tilespmem:s25+$0xFFFFFFF0];
	[tilespmem:s2+$0xFFFFFFE0] =	vst v3  }
0x1e1: {  	v3 =	vld [tilespmem:s7+$0xFFFFFFF0];
	_ =	sdelay $0x1  }
0x1e2: {  	v0 =	vadd.f32 v8, v0  }
0x1e3: {  	[tilespmem:s26+$0x70] =	vst v11;
	v1 =	vadd.f32 v1, v5  }
0x1e4: {  	[tilespmem:s23+$0xFFFFFFF0] =	vst v0;
	v0 =	vadd.f32 v4, v2  }
0x1e5: {  	s25 =	smul.u32 $0x3, s21;
	[tilespmem:s2+$0x70] =	vst v1;
	v1 =	vadd.f32 v3, v7  }
0x1e6: {  	[tilespmem:s26+$0xFFFFFFF0] =	vst v0  }
0x1e7: {  	s23 =	sadd.s32 $0x4, s25;
	[tilespmem:s2+$0xFFFFFFF0] =	vst v1  }
0x1e8: {  	s12 =	smul.u32 $0x320, s23;
	_ =	swait.ge [sflag:s3], $0x6400  }
0x1e9: {  	[sflag:s3] =	ssyncset.done $0x0  }
0x1ea: {  	s18 =	sadd.s32 s25, s10;
	s2 =	sshra.s32 s12, $0x2;
	[sflag:s3] =	ssyncadd.s32 $0xFFFF9C00  }
0x1eb: {  	[tilespmem:s20], [sflag:$0x2] =	stream.indirect.gather [hbm4b:s1+s15], $0x80, s2, s15, $0xb8;
	[tilespmem:$0x1F400] =	vst v63  }
0x1ec: {  	s7 =	smul.u32 $0xC80, s18;
	s2 =	sadd.s32 $0x68, s2  }
0x1ed: {  	[tilespmem:s22], [sflag:$0x2] =	stream.indirect.gather [hbm4b:s1+s17], $0x80, s2, s17, $0xb8;
	[tilespmem:$0x1F400] =	vst v63  }
0x1ee: {  	s26 =	sadd.s32 s4, s7  }
0x1ef: {  	[hbm4b:s26+s5] =	stream.linear.scatter [tilespmem:s24], [sflag:$0x6], $0x6400, $0x38;
	[tilespmem:$0x1F400] =	vst v63  }
0x1f0: {  	_ =	swait.ge [sflag:s28], $0x6400  }
0x1f1: {  	[sflag:s28] =	ssyncset.done $0x0  }
0x1f2: {  	s26 =	simm.s32 $0xC880;
	[sflag:s28] =	ssyncadd.s32 $0xFFFF9C00  }
0x1f3: {  	s9 =	simm.s32 $0x6480;
	v0 =	vld [tilespmem:s26+$0x0]  }
0x1f4: {  	v1 =	vld [tilespmem:s9+$0x0];
	_ =	sdelay $0x3  }
0x1f5: {  	v2 =	vld [tilespmem:s26+$0xFFFFFF80]  }
0x1f6: {  	v0 =	vadd.f32 v1, v0;
	v1 =	vld [tilespmem:s9+$0xFFFFFF80];
	_ =	sdelay $0x1  }
0x1f7: {  	[tilespmem:s26+$0x0] =	vst v0;
	v0 =	vld [tilespmem:s26+$0x10]  }
0x1f8: {  	v3 =	vld [tilespmem:s9+$0x10];
	_ =	sdelay $0x1  }
0x1f9: {  	v1 =	vadd.f32 v1, v2;
	_ =	sdelay $0x1  }
0x1fa: {  	v4 =	vld [tilespmem:s26+$0xFFFFFF90];
	[tilespmem:s26+$0xFFFFFF80] =	vst v1  }
0x1fb: {  	v0 =	vadd.f32 v3, v0;
	v1 =	vld [tilespmem:s9+$0xFFFFFF90];
	_ =	sdelay $0x1  }
0x1fc: {  	[tilespmem:s26+$0x10] =	vst v0;
	v0 =	vld [tilespmem:s26+$0x20]  }
0x1fd: {  	v3 =	vld [tilespmem:s9+$0x20]  }
0x1fe: {  	v5 =	vld [tilespmem:s26+$0xFFFFFFB0]  }
0x1ff: {  	s31 =	simm.s32 $0xC980;
	v6 =	vld [tilespmem:s26+$0xFFFFFFD0];
	v1 =	vadd.f32 v1, v4  }
0x200: {  	v7 =	vld [tilespmem:s31+$0x0]  }
0x201: {  	v2 =	vld [tilespmem:s26+$0xFFFFFFA0];
	[tilespmem:s26+$0xFFFFFF90] =	vst v1  }
0x202: {  	v0 =	vadd.f32 v3, v0;
	v1 =	vld [tilespmem:s9+$0xFFFFFFA0]  }
0x203: {  	v8 =	vld [tilespmem:s26+$0xFFFFFFE0]  }
0x204: {  	[tilespmem:s26+$0x20] =	vst v0;
	v0 =	vld [tilespmem:s26+$0x30]  }
0x205: {  	s2 =	simm.s32 $0x6580;
	v3 =	vld [tilespmem:s9+$0x30]  }
0x206: {  	v10 =	vld [tilespmem:s2+$0xFFFFFF80]  }
0x207: {  	v1 =	vadd.f32 v1, v2;
	v2 =	vld [tilespmem:s2+$0x0]  }
0x208: {  	v12 =	vld [tilespmem:s31+$0xFFFFFF90]  }
0x209: {  	s7 =	simm.s32 $0x6680;
	v13 =	vld [tilespmem:s31+$0xFFFFFFD0]  }
0x20a: {  	v15 =	vld [tilespmem:s7+$0xFFFFFF80];
	v0 =	vadd.f32 v3, v0  }
0x20b: {  	[tilespmem:s26+$0xFFFFFFA0] =	vst v1;
	v1 =	vld [tilespmem:s26+$0x40]  }
0x20c: {  	[tilespmem:s26+$0x30] =	vst v0;
	v2 =	vadd.f32 v2, v7;
	v7 =	vld [tilespmem:s31+$0xFFFFFF80]  }
0x20d: {  	s18 =	simm.s32 $0xCA80;
	v9 =	vld [tilespmem:s9+$0x40]  }
0x20e: {  	v16 =	vld [tilespmem:s18+$0xFFFFFF80]  }
0x20f: {  	v3 =	vld [tilespmem:s9+$0xFFFFFFB0]  }
0x210: {  	v17 =	vld [tilespmem:s31+$0x50]  }
0x211: {  	[tilespmem:s31+$0x0] =	vst v2;
	v2 =	vld [tilespmem:s31+$0x10];
	v7 =	vadd.f32 v10, v7  }
0x212: {  	v11 =	vld [tilespmem:s2+$0x10];
	v1 =	vadd.f32 v9, v1  }
0x213: {  	v9 =	vld [tilespmem:s26+$0x50];
	[tilespmem:s31+$0xFFFFFF80] =	vst v7  }
0x214: {  	[tilespmem:s26+$0x40] =	vst v1;
	v1 =	vadd.f32 v3, v5;
	v5 =	vld [tilespmem:s2+$0xFFFFFF90]  }
0x215: {  	v3 =	vld [tilespmem:s9+$0x50]  }
0x216: {  	v60 =	vld [tilespmem:s18+$0xFFFFFFA0]  }
0x217: {  	v4 =	vld [tilespmem:s26+$0xFFFFFFC0];
	v2 =	vadd.f32 v11, v2;
	[tilespmem:s26+$0xFFFFFFB0] =	vst v1  }
0x218: {  	v1 =	vld [tilespmem:s9+$0xFFFFFFC0]  }
0x219: {  	[tilespmem:s31+$0x10] =	vst v2;
	v2 =	vld [tilespmem:s31+$0x20]  }
0x21a: {  	v5 =	vadd.f32 v5, v12;
	v3 =	vadd.f32 v3, v9;
	v9 =	vld [tilespmem:s2+$0x20]  }
0x21b: {  	v18 =	vld [tilespmem:s31+$0x60];
	v15 =	vadd.f32 v15, v16  }
0x21c: {  	v10 =	vld [tilespmem:s31+$0xFFFFFFA0];
	[tilespmem:s31+$0xFFFFFF90] =	vst v5  }
0x21d: {  	[tilespmem:s18+$0xFFFFFF80] =	vst v15;
	v1 =	vadd.f32 v1, v4;
	v4 =	vld [tilespmem:s2+$0xFFFFFFA0]  }
0x21e: {  	v15 =	vld [tilespmem:s7+$0xFFFFFF90]  }
0x21f: {  	v0 =	vld [tilespmem:s26+$0xFFFFFFF0];
	[tilespmem:s26+$0xFFFFFFC0] =	vst v1;
	v1 =	vadd.f32 v9, v2  }
0x220: {  	v7 =	vld [tilespmem:s31+$0xFFFFFFB0]  }
0x221: {  	v5 =	vld [tilespmem:s31+$0x30];
	[tilespmem:s31+$0x20] =	vst v1  }
0x222: {  	v4 =	vadd.f32 v4, v10;
	v10 =	vld [tilespmem:s2+$0x30]  }
0x223: {  	v2 =	vld [tilespmem:s9+$0xFFFFFFD0]  }
0x224: {  	v11 =	vld [tilespmem:s26+$0x60]  }
0x225: {  	v12 =	vld [tilespmem:s31+$0xFFFFFFC0];
	[tilespmem:s26+$0x50] =	vst v3  }
0x226: {  	v3 =	vld [tilespmem:s9+$0x60]  }
0x227: {  	[tilespmem:s31+$0xFFFFFFA0] =	vst v4;
	v4 =	vld [tilespmem:s18+$0x0];
	v5 =	vadd.f32 v10, v5  }
0x228: {  	v2 =	vadd.f32 v2, v6;
	v6 =	vld [tilespmem:s7+$0x0]  }
0x229: {  	v10 =	vld [tilespmem:s31+$0x40];
	[tilespmem:s31+$0x30] =	vst v5  }
0x22a: {  	v5 =	vld [tilespmem:s2+$0x40]  }
0x22b: {  	v9 =	vld [tilespmem:s26+$0x70];
	v3 =	vadd.f32 v3, v11  }
0x22c: {  	v1 =	vld [tilespmem:s31+$0xFFFFFFE0]  }
0x22d: {  	[tilespmem:s26+$0x60] =	vst v3;
	v3 =	vld [tilespmem:s2+$0xFFFFFFB0];
	v4 =	vadd.f32 v6, v4  }
0x22e: {  	v6 =	vld [tilespmem:s18+$0xFFFFFF90]  }
0x22f: {  	[tilespmem:s18+$0x0] =	vst v4;
	v4 =	vld [tilespmem:s18+$0x10];
	v5 =	vadd.f32 v5, v10  }
0x230: {  	v10 =	vld [tilespmem:s7+$0x10]  }
0x231: {  	v11 =	vld [tilespmem:s9+$0x70];
	[tilespmem:s31+$0x40] =	vst v5  }
0x232: {  	v3 =	vadd.f32 v3, v7;
	v7 =	vld [tilespmem:s2+$0x50]  }
0x233: {  	[tilespmem:s26+$0xFFFFFFD0] =	vst v2;
	v2 =	vld [tilespmem:s31+$0xFFFFFFF0]  }
0x234: {  	v14 =	vld [tilespmem:s9+$0xFFFFFFE0];
	[tilespmem:s31+$0xFFFFFFB0] =	vst v3;
	v6 =	vadd.f32 v15, v6  }
0x235: {  	v3 =	vadd.f32 v10, v4;
	v10 =	vld [tilespmem:s2+$0xFFFFFFC0]  }
0x236: {  	[tilespmem:s18+$0xFFFFFF90] =	vst v6;
	v6 =	vld [tilespmem:s18+$0xFFFFFFE0]  }
0x237: {  	v5 =	vld [tilespmem:s18+$0xFFFFFFB0];
	[tilespmem:s18+$0x10] =	vst v3;
	v3 =	vadd.f32 v7, v17  }
0x238: {  	v7 =	vld [tilespmem:s18+$0x20]  }
0x239: {  	v15 =	vld [tilespmem:s7+$0x20];
	[tilespmem:s31+$0x50] =	vst v3  }
0x23a: {  	v10 =	vadd.f32 v10, v12;
	v12 =	vld [tilespmem:s2+$0x60]  }
0x23b: {  	v61 =	vld [tilespmem:s7+$0xFFFFFFA0]  }
0x23c: {  	v4 =	vld [tilespmem:s18+$0xFFFFFFC0];
	[tilespmem:s31+$0xFFFFFFC0] =	vst v10  }
0x23d: {  	v10 =	vld [tilespmem:s2+$0xFFFFFFD0]  }
0x23e: {  	v3 =	vld [tilespmem:s18+$0xFFFFFFD0];
	v7 =	vadd.f32 v15, v7  }
0x23f: {  	v15 =	vld [tilespmem:s31+$0x70];
	v12 =	vadd.f32 v12, v18  }
0x240: {  	[tilespmem:s18+$0x20] =	vst v7;
	v7 =	vadd.f32 v14, v8;
	v14 =	vld [tilespmem:s18+$0x30]  }
0x241: {  	v8 =	vadd.f32 v61, v60;
	v62 =	vld [tilespmem:s7+$0x30];
	[tilespmem:s31+$0x60] =	vst v12  }
0x242: {  	[tilespmem:s26+$0xFFFFFFE0] =	vst v7;
	v7 =	vadd.f32 v10, v13;
	v63 =	vld [tilespmem:s2+$0x70]  }
0x243: {  	[tilespmem:s18+$0xFFFFFFA0] =	vst v8;
	v8 =	vld [tilespmem:s9+$0xFFFFFFF0]  }
0x244: {  	v12 =	vld [tilespmem:s7+$0xFFFFFFB0];
	[tilespmem:s31+$0xFFFFFFD0] =	vst v7  }
0x245: {  	v10 =	vadd.f32 v11, v9;
	v9 =	vld [tilespmem:s2+$0xFFFFFFE0]  }
0x246: {  	v7 =	vld [tilespmem:s18+$0xFFFFFFF0];
	v13 =	vadd.f32 v62, v14  }
0x247: {  	s8 =	simm.s32 $0xCB80;
	s12 =	simm.s32 $0x4;
	s9 =	simm.s32 $0x6680;
	[tilespmem:s26+$0x70] =	vst v10;
	v10 =	vld [tilespmem:s18+$0x40];
	v11 =	vadd.f32 v63, v15  }
.LBB2_9:
0x248: {  	v14 =	vld [tilespmem:s8+$0x0];
	[tilespmem:s18+$0x30] =	vst v13;
	s7 =	sadd.s32 $0x100, s7;
	v8 =	vadd.f32 v8, v0;
	v0 =	vmov v2  }
0x249: {  	v13 =	vld [tilespmem:s7+$0x0];
	v12 =	vadd.f32 v12, v5;
	[tilespmem:s31+$0x70] =	vst v11  }
0x24a: {  	s12 =	sadd.s32 $0x2, s12;
	v5 =	vld [tilespmem:s9+$0x40];
	v9 =	vadd.f32 v9, v1;
	[tilespmem:s26+$0xFFFFFFF0] =	vst v8;
	v1 =	vmov v6;
	s26 =	smov.u32 s31;
	s31 =	smov.u32 s18  }
0x24b: {  	p0 =	slt.u32 s12, $0xC6;
	s18 =	smov.u32 s8;
	v6 =	vld [tilespmem:s7+$0xFFFFFF80];
	[tilespmem:s31+$0xFFFFFFB0] =	vst v12;
	v2 =	vmov v7  }
0x24c: {  	v7 =	vld [tilespmem:s8+$0xFFFFFF80];
	[tilespmem:s26+$0xFFFFFFE0] =	vst v9  }
0x24d: {  	v8 =	vld [tilespmem:s8+$0xFFFFFF90]  }
0x24e: {  	v9 =	vld [tilespmem:s8+$0xFFFFFFA0];
	v11 =	vadd.f32 v13, v14  }
0x24f: {  	v5 =	vadd.f32 v5, v10;
	v10 =	vld [tilespmem:s31+$0x50]  }
0x250: {  	[tilespmem:s8+$0x0] =	vst v11;
	v11 =	vld [tilespmem:s8+$0x10]  }
0x251: {  	v6 =	vadd.f32 v6, v7;
	v7 =	vld [tilespmem:s7+$0x10];
	[tilespmem:s31+$0x40] =	vst v5  }
0x252: {  	v12 =	vld [tilespmem:s9+$0x50]  }
0x253: {  	[tilespmem:s8+$0xFFFFFF80] =	vst v6;
	v5 =	vld [tilespmem:s8+$0xFFFFFFB0]  }
0x254: {  	v6 =	vld [tilespmem:s7+$0xFFFFFF90]  }
0x255: {  	v13 =	vld [tilespmem:s9+$0xFFFFFFC0]  }
0x256: {  	v14 =	vld [tilespmem:s8+$0xFFFFFFC0];
	v7 =	vadd.f32 v7, v11  }
0x257: {  	v10 =	vadd.f32 v12, v10;
	v11 =	vld [tilespmem:s31+$0x60]  }
0x258: {  	[tilespmem:s8+$0x10] =	vst v7;
	v7 =	vld [tilespmem:s8+$0x20]  }
0x259: {  	v6 =	vadd.f32 v6, v8;
	v8 =	vld [tilespmem:s7+$0x20];
	[tilespmem:s31+$0x50] =	vst v10  }
0x25a: {  	v10 =	vadd.f32 v13, v4;
	v12 =	vld [tilespmem:s9+$0x60]  }
0x25b: {  	[tilespmem:s8+$0xFFFFFF90] =	vst v6;
	v13 =	vld [tilespmem:s8+$0xFFFFFFD0];
	v4 =	vmov v14  }
0x25c: {  	v14 =	vld [tilespmem:s7+$0xFFFFFFA0];
	[tilespmem:s31+$0xFFFFFFC0] =	vst v10  }
0x25d: {  	v10 =	vld [tilespmem:s9+$0xFFFFFFD0]  }
0x25e: {  	v6 =	vld [tilespmem:s8+$0xFFFFFFE0];
	v7 =	vadd.f32 v8, v7  }
0x25f: {  	v8 =	vadd.f32 v12, v11;
	v11 =	vld [tilespmem:s31+$0x70]  }
0x260: {  	[tilespmem:s8+$0x20] =	vst v7;
	v15 =	vld [tilespmem:s8+$0x30]  }
0x261: {  	v7 =	vadd.f32 v14, v9;
	v14 =	vld [tilespmem:s7+$0x30];
	[tilespmem:s31+$0x60] =	vst v8  }
0x262: {  	v9 =	vadd.f32 v10, v3;
	v16 =	vld [tilespmem:s9+$0x70];
	v3 =	vmov v13  }
.Ltmp3:
0x263: {  	[tilespmem:s8+$0xFFFFFFA0] =	vst v7;
	v8 =	vld [tilespmem:s2+$0xFFFFFFF0];
	s2 =	smov.u32 s9;
	s9 =	smov.u32 s7;
	(pc) =	sbr.rel @p0 .LBB2_9-.Ltmp3, $4  }
0x264: {  	v12 =	vld [tilespmem:s7+$0xFFFFFFB0];
	[tilespmem:s31+$0xFFFFFFD0] =	vst v9  }
0x265: {  	v9 =	vld [tilespmem:s2+$0xFFFFFFE0]  }
0x266: {  	v7 =	vld [tilespmem:s8+$0xFFFFFFF0];
	v13 =	vadd.f32 v14, v15  }
0x267: {  	s8 =	sadd.s32 $0x100, s8;
	v10 =	vld [tilespmem:s18+$0x40];
	v11 =	vadd.f32 v16, v11  }
0x268: {  	_ = 	snop  }
0x269: {  	[tilespmem:s18+$0x30] =	vst v13;
	v5 =	vadd.f32 v12, v5  }
0x26a: {  	v12 =	vld [tilespmem:s9+$0x40]  }
0x26b: {  	[tilespmem:s18+$0xFFFFFFB0] =	vst v5  }
0x26c: {  	v5 =	vld [tilespmem:s9+$0xFFFFFFC0];
	_ =	sdelay $0x2  }
0x26d: {  	v10 =	vadd.f32 v12, v10;
	_ =	sdelay $0x1  }
0x26e: {  	v12 =	vld [tilespmem:s18+$0x50];
	[tilespmem:s18+$0x40] =	vst v10;
	v4 =	vadd.f32 v5, v4  }
0x26f: {  	v5 =	vld [tilespmem:s9+$0x50]  }
0x270: {  	[tilespmem:s18+$0xFFFFFFC0] =	vst v4  }
0x271: {  	v4 =	vld [tilespmem:s9+$0xFFFFFFD0];
	_ =	sdelay $0x2  }
0x272: {  	v5 =	vadd.f32 v5, v12;
	_ =	sdelay $0x1  }
0x273: {  	v10 =	vld [tilespmem:s18+$0x60];
	[tilespmem:s18+$0x50] =	vst v5;
	v3 =	vadd.f32 v4, v3  }
0x274: {  	v4 =	vld [tilespmem:s9+$0x60]  }
0x275: {  	[tilespmem:s18+$0xFFFFFFD0] =	vst v3  }
0x276: {  	v3 =	vld [tilespmem:s9+$0xFFFFFFE0];
	_ =	sdelay $0x2  }
0x277: {  	v4 =	vadd.f32 v4, v10  }
0x278: {  	v1 =	vadd.f32 v9, v1  }
0x279: {  	v5 =	vld [tilespmem:s18+$0x70];
	[tilespmem:s18+$0x60] =	vst v4;
	v3 =	vadd.f32 v3, v6  }
0x27a: {  	[tilespmem:s31+$0xFFFFFFE0] =	vst v1;
	v1 =	vld [tilespmem:s9+$0x70]  }
0x27b: {  	v4 =	vld [tilespmem:s2+$0xFFFFFFF0];
	[tilespmem:s18+$0xFFFFFFE0] =	vst v3  }
0x27c: {  	v3 =	vld [tilespmem:s9+$0xFFFFFFF0];
	_ =	sdelay $0x1  }
0x27d: {  	v0 =	vadd.f32 v8, v0  }
0x27e: {  	[tilespmem:s31+$0x70] =	vst v11;
	v1 =	vadd.f32 v1, v5  }
0x27f: {  	[tilespmem:s26+$0xFFFFFFF0] =	vst v0;
	v0 =	vadd.f32 v4, v2  }
0x280: {  	[tilespmem:s18+$0x70] =	vst v1;
	v1 =	vadd.f32 v3, v7  }
0x281: {  	p0 =	seq.s32 s21, $0x29;
	[tilespmem:s31+$0xFFFFFFF0] =	vst v0  }
0x282: {  	s7 =	smul.u32 @!p0 $0x960, s21;
	s2 =	simm.s32 @!p0 $0x6;
	[tilespmem:s18+$0xFFFFFFF0] =	vst v1  }
0x283: {  	s25 =	sadd.s32 s25, s11;
	s8 =	simm.s32 @!p0 $0x19000;
	_ =	swait.ge @!p0 [sflag:s2], $0x6400  }
0x284: {  	s26 =	sshra.s32 @!p0 s7, $0x2;
	s7 =	simm.s32 @!p0 $0x68;
	[sflag:s2] =	ssyncset.done @!p0 $0x0  }
0x285: {  	s9 =	simm.s32 @!p0 $0x1C400;
	[sflag:s2] =	ssyncadd.s32 @!p0 $0xFFFF9C00;
	s2 =	sadd.s32 @!p0 $0x3E8, s26  }
0x286: {  	[tilespmem:s8], [sflag:$0x3] =	stream.indirect.gather @!p0 [hbm4b:s1+s7], $0x80, s2, s7, $0xb8;
	[tilespmem:$0x1F400] =	vst v63  }
0x287: {  	s2 =	sadd.s32 @!p0 $0x450, s26;
	s8 =	simm.s32 @!p0 $0x60;
	s7 =	smul.u32 $0xC80, s25  }
0x288: {  	[tilespmem:s9], [sflag:$0x3] =	stream.indirect.gather @!p0 [hbm4b:s1+s8], $0x80, s2, s8, $0xb8;
	[tilespmem:$0x1F400] =	vst v63  }
0x289: {  	s9 =	sadd.s32 s4, s7  }
0x28a: {  	[hbm4b:s9+s5] =	stream.linear.scatter [tilespmem:s16], [sflag:$0x4], $0x6400, $0x38;
	[tilespmem:$0x1F400] =	vst v63  }
0x28b: {  	_ =	swait.ge [sflag:s29], $0x6400  }
0x28c: {  	[sflag:s29] =	ssyncset.done $0x0  }
0x28d: {  	s25 =	simm.s32 $0x12C80;
	[sflag:s29] =	ssyncadd.s32 $0xFFFF9C00  }
0x28e: {  	s12 =	simm.s32 $0x6480;
	v0 =	vld [tilespmem:s25+$0x0]  }
0x28f: {  	v1 =	vld [tilespmem:s12+$0x0];
	_ =	sdelay $0x3  }
0x290: {  	v2 =	vld [tilespmem:s25+$0xFFFFFF80]  }
0x291: {  	v0 =	vadd.f32 v1, v0;
	v1 =	vld [tilespmem:s12+$0xFFFFFF80];
	_ =	sdelay $0x1  }
0x292: {  	[tilespmem:s25+$0x0] =	vst v0;
	v0 =	vld [tilespmem:s25+$0x10]  }
0x293: {  	v3 =	vld [tilespmem:s12+$0x10];
	_ =	sdelay $0x1  }
0x294: {  	v1 =	vadd.f32 v1, v2;
	_ =	sdelay $0x1  }
0x295: {  	v4 =	vld [tilespmem:s25+$0xFFFFFF90];
	[tilespmem:s25+$0xFFFFFF80] =	vst v1  }
0x296: {  	v0 =	vadd.f32 v3, v0;
	v1 =	vld [tilespmem:s12+$0xFFFFFF90];
	_ =	sdelay $0x1  }
0x297: {  	[tilespmem:s25+$0x10] =	vst v0;
	v0 =	vld [tilespmem:s25+$0x20]  }
0x298: {  	v3 =	vld [tilespmem:s12+$0x20]  }
0x299: {  	v5 =	vld [tilespmem:s25+$0xFFFFFFB0]  }
0x29a: {  	s31 =	simm.s32 $0x12D80;
	v6 =	vld [tilespmem:s25+$0xFFFFFFD0];
	v1 =	vadd.f32 v1, v4  }
0x29b: {  	v7 =	vld [tilespmem:s31+$0x0]  }
0x29c: {  	v2 =	vld [tilespmem:s25+$0xFFFFFFA0];
	[tilespmem:s25+$0xFFFFFF90] =	vst v1  }
0x29d: {  	v0 =	vadd.f32 v3, v0;
	v1 =	vld [tilespmem:s12+$0xFFFFFFA0]  }
0x29e: {  	v8 =	vld [tilespmem:s25+$0xFFFFFFE0]  }
0x29f: {  	[tilespmem:s25+$0x20] =	vst v0;
	v0 =	vld [tilespmem:s25+$0x30]  }
0x2a0: {  	s2 =	simm.s32 $0x6580;
	v3 =	vld [tilespmem:s12+$0x30]  }
0x2a1: {  	v10 =	vld [tilespmem:s2+$0xFFFFFF80]  }
0x2a2: {  	v1 =	vadd.f32 v1, v2;
	v2 =	vld [tilespmem:s2+$0x0]  }
0x2a3: {  	v12 =	vld [tilespmem:s31+$0xFFFFFF90]  }
0x2a4: {  	s7 =	simm.s32 $0x6680;
	v13 =	vld [tilespmem:s31+$0xFFFFFFD0]  }
0x2a5: {  	v15 =	vld [tilespmem:s7+$0xFFFFFF80];
	v0 =	vadd.f32 v3, v0  }
0x2a6: {  	[tilespmem:s25+$0xFFFFFFA0] =	vst v1;
	v1 =	vld [tilespmem:s25+$0x40]  }
0x2a7: {  	[tilespmem:s25+$0x30] =	vst v0;
	v2 =	vadd.f32 v2, v7;
	v7 =	vld [tilespmem:s31+$0xFFFFFF80]  }
0x2a8: {  	s18 =	simm.s32 $0x12E80;
	v9 =	vld [tilespmem:s12+$0x40]  }
0x2a9: {  	v16 =	vld [tilespmem:s18+$0xFFFFFF80]  }
0x2aa: {  	v3 =	vld [tilespmem:s12+$0xFFFFFFB0]  }
0x2ab: {  	v17 =	vld [tilespmem:s31+$0x50]  }
0x2ac: {  	[tilespmem:s31+$0x0] =	vst v2;
	v2 =	vld [tilespmem:s31+$0x10];
	v7 =	vadd.f32 v10, v7  }
0x2ad: {  	v11 =	vld [tilespmem:s2+$0x10];
	v1 =	vadd.f32 v9, v1  }
0x2ae: {  	v9 =	vld [tilespmem:s25+$0x50];
	[tilespmem:s31+$0xFFFFFF80] =	vst v7  }
0x2af: {  	[tilespmem:s25+$0x40] =	vst v1;
	v1 =	vadd.f32 v3, v5;
	v5 =	vld [tilespmem:s2+$0xFFFFFF90]  }
0x2b0: {  	v3 =	vld [tilespmem:s12+$0x50]  }
0x2b1: {  	v60 =	vld [tilespmem:s18+$0xFFFFFFA0]  }
0x2b2: {  	v4 =	vld [tilespmem:s25+$0xFFFFFFC0];
	v2 =	vadd.f32 v11, v2;
	[tilespmem:s25+$0xFFFFFFB0] =	vst v1  }
0x2b3: {  	v1 =	vld [tilespmem:s12+$0xFFFFFFC0]  }
0x2b4: {  	[tilespmem:s31+$0x10] =	vst v2;
	v2 =	vld [tilespmem:s31+$0x20]  }
0x2b5: {  	v5 =	vadd.f32 v5, v12;
	v3 =	vadd.f32 v3, v9;
	v9 =	vld [tilespmem:s2+$0x20]  }
0x2b6: {  	v18 =	vld [tilespmem:s31+$0x60];
	v15 =	vadd.f32 v15, v16  }
0x2b7: {  	v10 =	vld [tilespmem:s31+$0xFFFFFFA0];
	[tilespmem:s31+$0xFFFFFF90] =	vst v5  }
0x2b8: {  	[tilespmem:s18+$0xFFFFFF80] =	vst v15;
	v1 =	vadd.f32 v1, v4;
	v4 =	vld [tilespmem:s2+$0xFFFFFFA0]  }
0x2b9: {  	v15 =	vld [tilespmem:s7+$0xFFFFFF90]  }
0x2ba: {  	v0 =	vld [tilespmem:s25+$0xFFFFFFF0];
	[tilespmem:s25+$0xFFFFFFC0] =	vst v1;
	v1 =	vadd.f32 v9, v2  }
0x2bb: {  	v7 =	vld [tilespmem:s31+$0xFFFFFFB0]  }
0x2bc: {  	v5 =	vld [tilespmem:s31+$0x30];
	[tilespmem:s31+$0x20] =	vst v1  }
0x2bd: {  	v4 =	vadd.f32 v4, v10;
	v10 =	vld [tilespmem:s2+$0x30]  }
0x2be: {  	v2 =	vld [tilespmem:s12+$0xFFFFFFD0]  }
0x2bf: {  	v11 =	vld [tilespmem:s25+$0x60]  }
0x2c0: {  	v12 =	vld [tilespmem:s31+$0xFFFFFFC0];
	[tilespmem:s25+$0x50] =	vst v3  }
0x2c1: {  	v3 =	vld [tilespmem:s12+$0x60]  }
0x2c2: {  	[tilespmem:s31+$0xFFFFFFA0] =	vst v4;
	v4 =	vld [tilespmem:s18+$0x0];
	v5 =	vadd.f32 v10, v5  }
0x2c3: {  	v2 =	vadd.f32 v2, v6;
	v6 =	vld [tilespmem:s7+$0x0]  }
0x2c4: {  	v10 =	vld [tilespmem:s31+$0x40];
	[tilespmem:s31+$0x30] =	vst v5  }
0x2c5: {  	v5 =	vld [tilespmem:s2+$0x40]  }
0x2c6: {  	v9 =	vld [tilespmem:s25+$0x70];
	v3 =	vadd.f32 v3, v11  }
0x2c7: {  	v1 =	vld [tilespmem:s31+$0xFFFFFFE0]  }
0x2c8: {  	[tilespmem:s25+$0x60] =	vst v3;
	v3 =	vld [tilespmem:s2+$0xFFFFFFB0];
	v4 =	vadd.f32 v6, v4  }
0x2c9: {  	v6 =	vld [tilespmem:s18+$0xFFFFFF90]  }
0x2ca: {  	[tilespmem:s18+$0x0] =	vst v4;
	v4 =	vld [tilespmem:s18+$0x10];
	v5 =	vadd.f32 v5, v10  }
0x2cb: {  	v10 =	vld [tilespmem:s7+$0x10]  }
0x2cc: {  	v11 =	vld [tilespmem:s12+$0x70];
	[tilespmem:s31+$0x40] =	vst v5  }
0x2cd: {  	v3 =	vadd.f32 v3, v7;
	v7 =	vld [tilespmem:s2+$0x50]  }
0x2ce: {  	[tilespmem:s25+$0xFFFFFFD0] =	vst v2;
	v2 =	vld [tilespmem:s31+$0xFFFFFFF0]  }
0x2cf: {  	v14 =	vld [tilespmem:s12+$0xFFFFFFE0];
	[tilespmem:s31+$0xFFFFFFB0] =	vst v3;
	v6 =	vadd.f32 v15, v6  }
0x2d0: {  	v3 =	vadd.f32 v10, v4;
	v10 =	vld [tilespmem:s2+$0xFFFFFFC0]  }
0x2d1: {  	[tilespmem:s18+$0xFFFFFF90] =	vst v6;
	v6 =	vld [tilespmem:s18+$0xFFFFFFE0]  }
0x2d2: {  	v5 =	vld [tilespmem:s18+$0xFFFFFFB0];
	[tilespmem:s18+$0x10] =	vst v3;
	v3 =	vadd.f32 v7, v17  }
0x2d3: {  	v7 =	vld [tilespmem:s18+$0x20]  }
0x2d4: {  	v15 =	vld [tilespmem:s7+$0x20];
	[tilespmem:s31+$0x50] =	vst v3  }
0x2d5: {  	v10 =	vadd.f32 v10, v12;
	v12 =	vld [tilespmem:s2+$0x60]  }
0x2d6: {  	v61 =	vld [tilespmem:s7+$0xFFFFFFA0]  }
0x2d7: {  	v4 =	vld [tilespmem:s18+$0xFFFFFFC0];
	[tilespmem:s31+$0xFFFFFFC0] =	vst v10  }
0x2d8: {  	v10 =	vld [tilespmem:s2+$0xFFFFFFD0]  }
0x2d9: {  	v3 =	vld [tilespmem:s18+$0xFFFFFFD0];
	v7 =	vadd.f32 v15, v7  }
0x2da: {  	v15 =	vld [tilespmem:s31+$0x70];
	v12 =	vadd.f32 v12, v18  }
0x2db: {  	[tilespmem:s18+$0x20] =	vst v7;
	v7 =	vadd.f32 v14, v8;
	v14 =	vld [tilespmem:s18+$0x30]  }
0x2dc: {  	v8 =	vadd.f32 v61, v60;
	v62 =	vld [tilespmem:s7+$0x30];
	[tilespmem:s31+$0x60] =	vst v12  }
0x2dd: {  	[tilespmem:s25+$0xFFFFFFE0] =	vst v7;
	v7 =	vadd.f32 v10, v13;
	v63 =	vld [tilespmem:s2+$0x70]  }
0x2de: {  	[tilespmem:s18+$0xFFFFFFA0] =	vst v8;
	v8 =	vld [tilespmem:s12+$0xFFFFFFF0]  }
0x2df: {  	v12 =	vld [tilespmem:s7+$0xFFFFFFB0];
	[tilespmem:s31+$0xFFFFFFD0] =	vst v7  }
0x2e0: {  	v10 =	vadd.f32 v11, v9;
	v9 =	vld [tilespmem:s2+$0xFFFFFFE0]  }
0x2e1: {  	v7 =	vld [tilespmem:s18+$0xFFFFFFF0];
	v13 =	vadd.f32 v62, v14  }
0x2e2: {  	s8 =	simm.s32 $0x12F80;
	s9 =	simm.s32 $0x6680;
	s12 =	simm.s32 $0x4;
	[tilespmem:s25+$0x70] =	vst v10;
	v10 =	vld [tilespmem:s18+$0x40];
	v11 =	vadd.f32 v63, v15  }
.LBB2_11:
0x2e3: {  	v14 =	vld [tilespmem:s8+$0x0];
	[tilespmem:s18+$0x30] =	vst v13;
	s7 =	sadd.s32 $0x100, s7;
	v8 =	vadd.f32 v8, v0;
	v0 =	vmov v2  }
0x2e4: {  	v13 =	vld [tilespmem:s7+$0x0];
	v12 =	vadd.f32 v12, v5;
	[tilespmem:s31+$0x70] =	vst v11  }
0x2e5: {  	s12 =	sadd.s32 $0x2, s12;
	v5 =	vld [tilespmem:s9+$0x40];
	v9 =	vadd.f32 v9, v1;
	[tilespmem:s25+$0xFFFFFFF0] =	vst v8;
	v1 =	vmov v6;
	s25 =	smov.u32 s31;
	s31 =	smov.u32 s18  }
0x2e6: {  	p1 =	slt.u32 s12, $0xC6;
	s18 =	smov.u32 s8;
	v6 =	vld [tilespmem:s7+$0xFFFFFF80];
	[tilespmem:s31+$0xFFFFFFB0] =	vst v12;
	v2 =	vmov v7  }
0x2e7: {  	v7 =	vld [tilespmem:s8+$0xFFFFFF80];
	[tilespmem:s25+$0xFFFFFFE0] =	vst v9  }
0x2e8: {  	v8 =	vld [tilespmem:s8+$0xFFFFFF90]  }
0x2e9: {  	v9 =	vld [tilespmem:s8+$0xFFFFFFA0];
	v11 =	vadd.f32 v13, v14  }
0x2ea: {  	v5 =	vadd.f32 v5, v10;
	v10 =	vld [tilespmem:s31+$0x50]  }
0x2eb: {  	[tilespmem:s8+$0x0] =	vst v11;
	v11 =	vld [tilespmem:s8+$0x10]  }
0x2ec: {  	v6 =	vadd.f32 v6, v7;
	v7 =	vld [tilespmem:s7+$0x10];
	[tilespmem:s31+$0x40] =	vst v5  }
0x2ed: {  	v12 =	vld [tilespmem:s9+$0x50]  }
0x2ee: {  	[tilespmem:s8+$0xFFFFFF80] =	vst v6;
	v5 =	vld [tilespmem:s8+$0xFFFFFFB0]  }
0x2ef: {  	v6 =	vld [tilespmem:s7+$0xFFFFFF90]  }
0x2f0: {  	v13 =	vld [tilespmem:s9+$0xFFFFFFC0]  }
0x2f1: {  	v14 =	vld [tilespmem:s8+$0xFFFFFFC0];
	v7 =	vadd.f32 v7, v11  }
0x2f2: {  	v10 =	vadd.f32 v12, v10;
	v11 =	vld [tilespmem:s31+$0x60]  }
0x2f3: {  	[tilespmem:s8+$0x10] =	vst v7;
	v7 =	vld [tilespmem:s8+$0x20]  }
0x2f4: {  	v6 =	vadd.f32 v6, v8;
	v8 =	vld [tilespmem:s7+$0x20];
	[tilespmem:s31+$0x50] =	vst v10  }
0x2f5: {  	v10 =	vadd.f32 v13, v4;
	v12 =	vld [tilespmem:s9+$0x60]  }
0x2f6: {  	[tilespmem:s8+$0xFFFFFF90] =	vst v6;
	v13 =	vld [tilespmem:s8+$0xFFFFFFD0];
	v4 =	vmov v14  }
0x2f7: {  	v14 =	vld [tilespmem:s7+$0xFFFFFFA0];
	[tilespmem:s31+$0xFFFFFFC0] =	vst v10  }
0x2f8: {  	v10 =	vld [tilespmem:s9+$0xFFFFFFD0]  }
0x2f9: {  	v6 =	vld [tilespmem:s8+$0xFFFFFFE0];
	v7 =	vadd.f32 v8, v7  }
0x2fa: {  	v8 =	vadd.f32 v12, v11;
	v11 =	vld [tilespmem:s31+$0x70]  }
0x2fb: {  	[tilespmem:s8+$0x20] =	vst v7;
	v15 =	vld [tilespmem:s8+$0x30]  }
0x2fc: {  	v7 =	vadd.f32 v14, v9;
	v14 =	vld [tilespmem:s7+$0x30];
	[tilespmem:s31+$0x60] =	vst v8  }
0x2fd: {  	v9 =	vadd.f32 v10, v3;
	v16 =	vld [tilespmem:s9+$0x70];
	v3 =	vmov v13  }
.Ltmp4:
0x2fe: {  	[tilespmem:s8+$0xFFFFFFA0] =	vst v7;
	v8 =	vld [tilespmem:s2+$0xFFFFFFF0];
	s2 =	smov.u32 s9;
	s9 =	smov.u32 s7;
	(pc) =	sbr.rel @p1 .LBB2_11-.Ltmp4, $4  }
0x2ff: {  	v12 =	vld [tilespmem:s7+$0xFFFFFFB0];
	[tilespmem:s31+$0xFFFFFFD0] =	vst v9  }
0x300: {  	v9 =	vld [tilespmem:s2+$0xFFFFFFE0]  }
0x301: {  	v7 =	vld [tilespmem:s8+$0xFFFFFFF0];
	v13 =	vadd.f32 v14, v15  }
0x302: {  	s8 =	sadd.s32 $0x100, s8;
	v10 =	vld [tilespmem:s18+$0x40];
	v11 =	vadd.f32 v16, v11  }
0x303: {  	_ = 	snop  }
0x304: {  	v5 =	vadd.f32 v12, v5  }
0x305: {  	[tilespmem:s18+$0x30] =	vst v13  }
0x306: {  	v54 =	vld [tilespmem:s9+$0x40];
	[tilespmem:s18+$0xFFFFFFB0] =	vst v5  }
0x307: {  	v5 =	vld [tilespmem:s9+$0xFFFFFFC0];
	_ =	sdelay $0x3  }
0x308: {  	v10 =	vadd.f32 v54, v10  }
0x309: {  	v4 =	vadd.f32 v5, v4  }
0x30a: {  	v55 =	vld [tilespmem:s18+$0x50];
	[tilespmem:s18+$0x40] =	vst v10  }
0x30b: {  	v56 =	vld [tilespmem:s9+$0x50];
	[tilespmem:s18+$0xFFFFFFC0] =	vst v4  }
0x30c: {  	v4 =	vld [tilespmem:s9+$0xFFFFFFD0];
	_ =	sdelay $0x3  }
0x30d: {  	v5 =	vadd.f32 v56, v55  }
0x30e: {  	v3 =	vadd.f32 v4, v3  }
0x30f: {  	v57 =	vld [tilespmem:s18+$0x60];
	[tilespmem:s18+$0x50] =	vst v5  }
0x310: {  	v58 =	vld [tilespmem:s9+$0x60];
	[tilespmem:s18+$0xFFFFFFD0] =	vst v3  }
0x311: {  	v3 =	vld [tilespmem:s9+$0xFFFFFFE0];
	_ =	sdelay $0x2  }
0x312: {  	v1 =	vadd.f32 v9, v1  }
0x313: {  	v4 =	vadd.f32 v58, v57  }
0x314: {  	v59 =	vld [tilespmem:s18+$0x70];
	[tilespmem:s31+$0xFFFFFFE0] =	vst v1;
	v3 =	vadd.f32 v3, v6  }
0x315: {  	v61 =	vld [tilespmem:s2+$0xFFFFFFF0];
	[tilespmem:s18+$0x60] =	vst v4  }
0x316: {  	v60 =	vld [tilespmem:s9+$0x70];
	[tilespmem:s18+$0xFFFFFFE0] =	vst v3  }
0x317: {  	v3 =	vld [tilespmem:s9+$0xFFFFFFF0];
	_ =	sdelay $0x1  }
0x318: {  	v0 =	vadd.f32 v8, v0  }
0x319: {  	[tilespmem:s31+$0x70] =	vst v11;
	v62 =	vadd.f32 v61, v2  }
0x31a: {  	[tilespmem:s25+$0xFFFFFFF0] =	vst v0;
	v1 =	vadd.f32 v60, v59  }
0x31b: {  	[tilespmem:s31+$0xFFFFFFF0] =	vst v62;
	v63 =	vadd.f32 v3, v7  }
0x31c: {  	[tilespmem:s18+$0x70] =	vst v1  }
0x31d: {  	s2 =	simm.s32 @!p0 $0x4;
	[tilespmem:s18+$0xFFFFFFF0] =	vst v63  }
0x31e: {  	_ =	swait.ge @!p0 [sflag:s2], $0x6400  }
0x31f: {  	s7 =	simm.s32 @!p0 $0x68;
	s8 =	simm.s32 @!p0 $0xC800;
	[sflag:s2] =	ssyncset.done @!p0 $0x0  }
0x320: {  	s21 =	sadd.s32 $0x1, s21;
	[sflag:s2] =	ssyncadd.s32 @!p0 $0xFFFF9C00;
	s2 =	sadd.s32 @!p0 $0x4B0, s26  }
0x321: {  	[tilespmem:s8], [sflag:$0x1] =	stream.indirect.gather @!p0 [hbm4b:s1+s7], $0x80, s2, s7, $0xb8;
	[tilespmem:$0x1F400] =	vst v63  }
0x322: {  	s9 =	simm.s32 @!p0 $0xFC00;
	s2 =	sadd.s32 @!p0 $0x518, s26;
	s8 =	simm.s32 @!p0 $0x60  }
0x323: {  	[tilespmem:s9], [sflag:$0x1] =	stream.indirect.gather @!p0 [hbm4b:s1+s8], $0x80, s2, s8, $0xb8;
	[tilespmem:$0x1F400] =	vst v63  }
0x324: {  	p0 =	sne.s32 s21, $0x2A  }
.Ltmp5:
0x325: {  	s26 =	sadd.s32 s6, s23;
	(pc) =	sbr.rel @p0 .LBB2_6-.Ltmp5, $3  }
0x326: {  	s7 =	smul.u32 $0xC80, s26;
	_ =	sdelay $0x1  }
0x327: {  	s31 =	sadd.s32 s4, s7  }
0x328: {  	[hbm4b:s31+s5] =	stream.linear.scatter [tilespmem:s20], [sflag:$0x5], $0x6400, $0x38;
	[tilespmem:$0x1F400] =	vst v63  }
0x329: {  	_ =	swait.ge [sflag:s30], $0x6400  }
0x32a: {  	[sflag:s30] =	ssyncset.done $0x0  }
0x32b: {  	[sflag:s30] =	ssyncadd.s32 $0xFFFF9C00  }
0x32c: {  	_ =	swait.ge [sflag:s3], $0x6400  }
0x32d: {  	[sflag:s3] =	ssyncset.done $0x0  }
0x32e: {  	[sflag:s3] =	ssyncadd.s32 $0xFFFF9C00  }
0x32f: {  	_ =	swait.ge [sflag:s13], $0x6400  }
0x330: {  	s19 =	sadd.s32 $0x1, s19;
	s2 =	rddreg [dreg:$0x8]  }
0x331: {  	p0 =	sne.s32 s19, s2  }
.Ltmp6:
0x332: {  	_ = 	snop;
	(pc) =	sbr.rel @p0 .LBB2_1-.Ltmp6, $3  }
0x333: {  	_ =	sdelay $0x1  }
0x334: {  	[sflag:s13] =	ssyncset.done $0x0  }
0x335: {  	s8 =	simm.s32 $0xFC00;
	[sflag:s13] =	ssyncadd.s32 $0xFFFF9C00  }
0x336: {  	_ =	sfence.sel $0x180000  }
0x337: {  	[bflag:$0x0] =	sbarrier.arrive $0xFFFF  }
0x338: {  	_ =	strace $0x90000047  }
0x339: {  	s0 =	stileid.u32;
	[bflag:$0x2] =	sbarrier.arrive $0xFFFF  }
0x33a: {  	p0 =	sne.s32 s0, $0x0;
	s0 =	rddreg [dreg:$0x4]  }
0x33b: {  	s0 =	sadd.s32 @!p0 $0x100000, s0  }
0x33c: {  	[sflag:s0] =	ssyncadd.tile.s32 @!p0 $0x1;
	_ =	shalt  }
.Lfunc_end2:
_tile_overlayer_lowered:
.L_overlay_start_2:
0x33d: {  	(tag) =	ssettag $0x2  }
0x33e: {  	s0 =	rddreg [dreg:$0x0];
	s2 =	stileid.u32  }
0x33f: {  	s1 =	rddreg [dreg:$0x1];
	p0 =	sne.s32 s2, $0x0  }
0x340: {  	s3 =	rddreg [dreg:$0x2];
	[bflag:$0x3] =	sbarrier.arrive $0xFFFF;
	s2 =	simm.s32 @!p0 $0x1C07  }
0x341: {  	[timem:s3], [sflag:s2] =	dma.local @!p0 [hbm:s0], s1  }
0x342: {  	s0 =	simm.s32 @!p0 $0x7  }
0x343: {  	_ =	swait.ge @!p0 [sflag:s0], s1  }
0x344: {  	s1 =	ssub.s32 @!p0 $0x0, s1;
	[sflag:s0] =	ssyncset.done @!p0 $0x0  }
0x345: {  	[sflag:s0] =	ssyncadd.s32 @!p0 s1  }
0x346: {  	[bflag:$0x3] =	sbarrier.arrive $0xFFFF  }
0x347: {  	_ =	shalt  }

</sc_bundles>
